<compile_context>
chip_gen: v7x
topology: tpu7x:2x2x1
jax: 0.10.2.dev20260603
libtpu: 0.0.44.dev20260713+nightly
codegen_flags: <defaults>
</compile_context>

<pallas_src>
import functools

import jax
import jax.numpy as jnp
from jax import lax
from jax.experimental import pallas as pl
from jax.experimental.pallas import tpu as pltpu
from jax.experimental.pallas import tpu_sc as plsc

B = 4096
S = 200
D = 64
DP = 128
V = 1000000
NC = 2
NS = 16
NW = NC * NS
RPW = B // NW
T_STEADY = 42

_mesh = plsc.VectorSubcoreMesh(core_axis_name="c", subcore_axis_name="s")


@functools.partial(
    pl.kernel,
    mesh=_mesh,
    out_type=jax.ShapeDtypeStruct((B, S, DP), jnp.float32),
    scratch_types=[
        pltpu.VMEM((RPW, S), jnp.int32),
        pltpu.VMEM((S, D), jnp.float32),
        pltpu.VMEM((S, D), jnp.float32),
        pltpu.VMEM((S, D), jnp.float32),
        pltpu.SemaphoreType.DMA,
        pltpu.SemaphoreType.DMA,
        pltpu.SemaphoreType.DMA,
        pltpu.SemaphoreType.DMA,
        pltpu.SemaphoreType.DMA,
        pltpu.SemaphoreType.DMA,
    ],
    compiler_params=pltpu.CompilerParams(use_tc_tiling_on_sc=False),
)
def _emb_lookup(idx_hbm, table_hbm, out_hbm, idx_all, rows0, rows1, rows2,
                g0, g1, g2, s0, s1, s2):
    rows = (rows0, rows1, rows2)
    gsem = (g0, g1, g2)
    ssem = (s0, s1, s2)
    wid = lax.axis_index("s") * NC + lax.axis_index("c")
    base = wid * RPW

    def fire(g, j):
        pltpu.async_copy(table_hbm.at[idx_all.at[g, pl.ds(0, 128)]],
                         rows[j].at[pl.ds(0, 128)], gsem[j])
        pltpu.async_copy(table_hbm.at[idx_all.at[g, pl.ds(128, S - 128)]],
                         rows[j].at[pl.ds(128, S - 128)], gsem[j])

    def wait_fire(j):
        pltpu.make_async_copy(out_hbm.at[0, :, pl.ds(0, D)], rows[j],
                              gsem[j]).wait()

    def store(g, j):
        pltpu.async_copy(rows[j], out_hbm.at[base + g, :, pl.ds(0, D)],
                         ssem[j])

    def wait_store(j):
        pltpu.make_async_copy(rows[j], out_hbm.at[0, :, pl.ds(0, D)],
                              ssem[j]).wait()

    pltpu.sync_copy(idx_hbm.at[pl.ds(base, RPW)], idx_all)

    fire(0, 0)
    fire(1, 1)
    fire(2, 2)
    wait_fire(0)
    store(0, 0)
    wait_fire(1)
    store(1, 1)

    def body(t, carry):
        for j in range(3):
            g = 3 * t + j
            p = (j + 2) % 3
            wait_store(j)
            fire(g, j)
            wait_fire(p)
            store(g - 1, p)
        return carry

    lax.fori_loop(1, T_STEADY, body, 0)

    wait_store(0)
    fire(126, 0)
    wait_fire(2)
    store(125, 2)
    wait_store(1)
    fire(127, 1)
    wait_fire(0)
    store(126, 0)
    wait_fire(1)
    store(127, 1)
    wait_store(0)
    wait_store(1)
    wait_store(2)


def kernel(input_ids, weight):
    wt = jnp.pad(weight, ((0, 0), (0, DP - D))).reshape(2 * V, D)
    ids2 = input_ids.astype(jnp.int32) * 2
    out = _emb_lookup(ids2, wt)
    return out[..., :D]

# --- scband reference (transcript-rebuilt; emitter-appended) ---
"""Pipeline reference for scband-token-embedding-37168646979615 (READ-ONLY COPY).

The authoritative reference and input builder live on the scoring server;
editing this copy changes nothing except your own understanding.
"""

import jax, jax.numpy as jnp
import numpy as np

VOCAB = 1000000
EMBED_DIM = 64
BATCH = 4096
SEQ_LEN = 200


def setup_inputs(seed: int = 0) -> dict:
    key = jax.random.key(seed)
    k_idx, k_w = jax.random.split(key)
    input_ids = jax.random.randint(k_idx, (BATCH, SEQ_LEN), 0, VOCAB, dtype=jnp.int64 if jax.config.jax_enable_x64 else jnp.int32)
    weight = jax.random.normal(k_w, (VOCAB, EMBED_DIM), dtype=jnp.float32) * 0.02
    return {"input_ids": input_ids, "weight": weight}


def reference(input_ids, weight):
    # Faithful translation of nn.Embedding forward: gather rows of the table.
    return jnp.take(weight, input_ids, axis=0)

if __name__ == "__main__":
    import jax
    _d = setup_inputs()
    print(jax.jit(kernel)(*tuple(_d.values())))

</pallas_src>

<mosaic_0001>
#map = affine_map<(d0, d1) -> (0, 0)>
#map1 = affine_map<(d0, d1) -> (0, 0, 0)>
module attributes {stable_mosaic.version = 14 : i64} {
  func.func @_emb_lookup(%arg0: i32, %arg1: i32, %arg2: memref<4096x200xi32, #tpu.memory_space<hbm>>, %arg3: memref<2000000x64xf32, #tpu.memory_space<hbm>>, %arg4: memref<4096x200x128xf32, #tpu.memory_space<hbm>>, %arg5: memref<128x200xi32, #tpu.memory_space<vmem>>, %arg6: memref<200x64xf32, #tpu.memory_space<vmem>>, %arg7: memref<200x64xf32, #tpu.memory_space<vmem>>, %arg8: memref<200x64xf32, #tpu.memory_space<vmem>>, %arg9: memref<!tpu.dma_semaphore, #tpu.memory_space<semaphore_mem>>, %arg10: memref<!tpu.dma_semaphore, #tpu.memory_space<semaphore_mem>>, %arg11: memref<!tpu.dma_semaphore, #tpu.memory_space<semaphore_mem>>, %arg12: memref<!tpu.dma_semaphore, #tpu.memory_space<semaphore_mem>>, %arg13: memref<!tpu.dma_semaphore, #tpu.memory_space<semaphore_mem>>, %arg14: memref<!tpu.dma_semaphore, #tpu.memory_space<semaphore_mem>>) attributes {dimension_semantics = [#tpu.dimension_semantics<core_parallel>, #tpu.dimension_semantics<subcore_parallel>], iteration_bounds = array<i64: 2, 16>, scalar_prefetch = 0 : i64, scratch_operands = 10 : i64, tpu.core_type = #tpu.core_type<sc_vector_subcore>, window_params = [{transform_indices = #map}, {transform_indices = #map}, {transform_indices = #map1}]} {
    %mul3A = arith.constant 2 : i32
    %mul3A_0 = arith.muli %arg1, %mul3A : i32
    %add3A = arith.addi %mul3A_0, %arg0 : i32
    %mul3A_1 = arith.constant 128 : i32
    %mul3A_2 = arith.muli %add3A, %mul3A_1 : i32
    "tpu.region"() ({
      %run_scoped3A = tpu.sem_alloc : memref<!tpu.dma_semaphore, #tpu.memory_space<semaphore_mem>>
      %dma_start3A_246 = arith.constant 0 : i32
      %dma_start3A_247 = tpu.memref_slice %arg2[%mul3A_2, %dma_start3A_246] : memref<4096x200xi32, #tpu.memory_space<hbm>> -> memref<128x200xi32, #tpu.memory_space<hbm>>
      %dma_start3A_248 = arith.constant 0 : i32
      %dma_start3A_249 = tpu.memref_slice %arg2[%mul3A_2, %dma_start3A_248] : memref<4096x200xi32, #tpu.memory_space<hbm>> -> memref<128x200xi32, #tpu.memory_space<hbm>>
      tpu.enqueue_dma source(%dma_start3A_249 : memref<128x200xi32, #tpu.memory_space<hbm>>) target(%arg5 : memref<128x200xi32, #tpu.memory_space<vmem>>) target_semaphore(%run_scoped3A : memref<!tpu.dma_semaphore, #tpu.memory_space<semaphore_mem>>)
      %dma_wait3A_250 = arith.constant 0 : i32
      %dma_wait3A_251 = tpu.memref_slice %arg2[%mul3A_2, %dma_wait3A_250] : memref<4096x200xi32, #tpu.memory_space<hbm>> -> memref<128x200xi32, #tpu.memory_space<hbm>>
      %dma_wait3A_252 = arith.constant 0 : i32
      %dma_wait3A_253 = tpu.memref_slice %arg2[%mul3A_2, %dma_wait3A_252] : memref<4096x200xi32, #tpu.memory_space<hbm>> -> memref<128x200xi32, #tpu.memory_space<hbm>>
      tpu.wait_dma2 semaphore(%run_scoped3A : memref<!tpu.dma_semaphore, #tpu.memory_space<semaphore_mem>>) src(%dma_wait3A_253 : memref<128x200xi32, #tpu.memory_space<hbm>>) dst(%arg5 : memref<128x200xi32, #tpu.memory_space<vmem>>)
      tpu.yield
    }) : () -> ()
    %dma_start3A = arith.constant 0 : i32
    %dma_start3A_3 = arith.constant 0 : i32
    %dma_start3A_4 = arith.constant 0 : i32
    %dma_start3A_5 = tpu.memref_slice %arg6[%dma_start3A_3, %dma_start3A_4] : memref<200x64xf32, #tpu.memory_space<vmem>> -> memref<128x64xf32, #tpu.memory_space<vmem>>
    %dma_start3A_6 = arith.constant 0 : i32
    %dma_start3A_7 = tpu.memref_slice %arg5[%dma_start3A, %dma_start3A_6] : memref<128x200xi32, #tpu.memory_space<vmem>> -> memref<1x128xi32, #tpu.memory_space<vmem>>
    %dma_start3A_8 = tpu.memref_squeeze %dma_start3A_7 : memref<1x128xi32, #tpu.memory_space<vmem>> -> memref<128xi32, #tpu.memory_space<vmem>>
    %dma_start3A_9 = arith.constant 0 : i32
    %dma_start3A_10 = arith.constant 0 : i32
    %dma_start3A_11 = tpu.memref_slice %arg3[%dma_start3A_9, %dma_start3A_10] : memref<2000000x64xf32, #tpu.memory_space<hbm>> -> memref<2000000x64xf32, #tpu.memory_space<hbm>>
    tpu.enqueue_indirect_dma source(%dma_start3A_11 : memref<2000000x64xf32, #tpu.memory_space<hbm>>) target(%dma_start3A_5 : memref<128x64xf32, #tpu.memory_space<vmem>>) offsets(%dma_start3A_8 : memref<128xi32, #tpu.memory_space<vmem>>) semaphore(%arg9 : memref<!tpu.dma_semaphore, #tpu.memory_space<semaphore_mem>>)
    %dma_start3A_12 = arith.constant 0 : i32
    %dma_start3A_13 = arith.constant 128 : i32
    %dma_start3A_14 = arith.constant 0 : i32
    %dma_start3A_15 = tpu.memref_slice %arg6[%dma_start3A_13, %dma_start3A_14] : memref<200x64xf32, #tpu.memory_space<vmem>> -> memref<72x64xf32, #tpu.memory_space<vmem>>
    %dma_start3A_16 = arith.constant 128 : i32
    %dma_start3A_17 = tpu.memref_slice %arg5[%dma_start3A_12, %dma_start3A_16] : memref<128x200xi32, #tpu.memory_space<vmem>> -> memref<1x72xi32, #tpu.memory_space<vmem>>
    %dma_start3A_18 = tpu.memref_squeeze %dma_start3A_17 : memref<1x72xi32, #tpu.memory_space<vmem>> -> memref<72xi32, #tpu.memory_space<vmem>>
    %dma_start3A_19 = arith.constant 0 : i32
    %dma_start3A_20 = arith.constant 0 : i32
    %dma_start3A_21 = tpu.memref_slice %arg3[%dma_start3A_19, %dma_start3A_20] : memref<2000000x64xf32, #tpu.memory_space<hbm>> -> memref<2000000x64xf32, #tpu.memory_space<hbm>>
    tpu.enqueue_indirect_dma source(%dma_start3A_21 : memref<2000000x64xf32, #tpu.memory_space<hbm>>) target(%dma_start3A_15 : memref<72x64xf32, #tpu.memory_space<vmem>>) offsets(%dma_start3A_18 : memref<72xi32, #tpu.memory_space<vmem>>) semaphore(%arg9 : memref<!tpu.dma_semaphore, #tpu.memory_space<semaphore_mem>>)
    %dma_start3A_22 = arith.constant 1 : i32
    %dma_start3A_23 = arith.constant 0 : i32
    %dma_start3A_24 = arith.constant 0 : i32
    %dma_start3A_25 = tpu.memref_slice %arg7[%dma_start3A_23, %dma_start3A_24] : memref<200x64xf32, #tpu.memory_space<vmem>> -> memref<128x64xf32, #tpu.memory_space<vmem>>
    %dma_start3A_26 = arith.constant 0 : i32
    %dma_start3A_27 = tpu.memref_slice %arg5[%dma_start3A_22, %dma_start3A_26] : memref<128x200xi32, #tpu.memory_space<vmem>> -> memref<1x128xi32, #tpu.memory_space<vmem>>
    %dma_start3A_28 = tpu.memref_squeeze %dma_start3A_27 : memref<1x128xi32, #tpu.memory_space<vmem>> -> memref<128xi32, #tpu.memory_space<vmem>>
    %dma_start3A_29 = arith.constant 0 : i32
    %dma_start3A_30 = arith.constant 0 : i32
    %dma_start3A_31 = tpu.memref_slice %arg3[%dma_start3A_29, %dma_start3A_30] : memref<2000000x64xf32, #tpu.memory_space<hbm>> -> memref<2000000x64xf32, #tpu.memory_space<hbm>>
    tpu.enqueue_indirect_dma source(%dma_start3A_31 : memref<2000000x64xf32, #tpu.memory_space<hbm>>) target(%dma_start3A_25 : memref<128x64xf32, #tpu.memory_space<vmem>>) offsets(%dma_start3A_28 : memref<128xi32, #tpu.memory_space<vmem>>) semaphore(%arg10 : memref<!tpu.dma_semaphore, #tpu.memory_space<semaphore_mem>>)
    %dma_start3A_32 = arith.constant 1 : i32
    %dma_start3A_33 = arith.constant 128 : i32
    %dma_start3A_34 = arith.constant 0 : i32
    %dma_start3A_35 = tpu.memref_slice %arg7[%dma_start3A_33, %dma_start3A_34] : memref<200x64xf32, #tpu.memory_space<vmem>> -> memref<72x64xf32, #tpu.memory_space<vmem>>
    %dma_start3A_36 = arith.constant 128 : i32
    %dma_start3A_37 = tpu.memref_slice %arg5[%dma_start3A_32, %dma_start3A_36] : memref<128x200xi32, #tpu.memory_space<vmem>> -> memref<1x72xi32, #tpu.memory_space<vmem>>
    %dma_start3A_38 = tpu.memref_squeeze %dma_start3A_37 : memref<1x72xi32, #tpu.memory_space<vmem>> -> memref<72xi32, #tpu.memory_space<vmem>>
    %dma_start3A_39 = arith.constant 0 : i32
    %dma_start3A_40 = arith.constant 0 : i32
    %dma_start3A_41 = tpu.memref_slice %arg3[%dma_start3A_39, %dma_start3A_40] : memref<2000000x64xf32, #tpu.memory_space<hbm>> -> memref<2000000x64xf32, #tpu.memory_space<hbm>>
    tpu.enqueue_indirect_dma source(%dma_start3A_41 : memref<2000000x64xf32, #tpu.memory_space<hbm>>) target(%dma_start3A_35 : memref<72x64xf32, #tpu.memory_space<vmem>>) offsets(%dma_start3A_38 : memref<72xi32, #tpu.memory_space<vmem>>) semaphore(%arg10 : memref<!tpu.dma_semaphore, #tpu.memory_space<semaphore_mem>>)
    %dma_start3A_42 = arith.constant 2 : i32
    %dma_start3A_43 = arith.constant 0 : i32
    %dma_start3A_44 = arith.constant 0 : i32
    %dma_start3A_45 = tpu.memref_slice %arg8[%dma_start3A_43, %dma_start3A_44] : memref<200x64xf32, #tpu.memory_space<vmem>> -> memref<128x64xf32, #tpu.memory_space<vmem>>
    %dma_start3A_46 = arith.constant 0 : i32
    %dma_start3A_47 = tpu.memref_slice %arg5[%dma_start3A_42, %dma_start3A_46] : memref<128x200xi32, #tpu.memory_space<vmem>> -> memref<1x128xi32, #tpu.memory_space<vmem>>
    %dma_start3A_48 = tpu.memref_squeeze %dma_start3A_47 : memref<1x128xi32, #tpu.memory_space<vmem>> -> memref<128xi32, #tpu.memory_space<vmem>>
    %dma_start3A_49 = arith.constant 0 : i32
    %dma_start3A_50 = arith.constant 0 : i32
    %dma_start3A_51 = tpu.memref_slice %arg3[%dma_start3A_49, %dma_start3A_50] : memref<2000000x64xf32, #tpu.memory_space<hbm>> -> memref<2000000x64xf32, #tpu.memory_space<hbm>>
    tpu.enqueue_indirect_dma source(%dma_start3A_51 : memref<2000000x64xf32, #tpu.memory_space<hbm>>) target(%dma_start3A_45 : memref<128x64xf32, #tpu.memory_space<vmem>>) offsets(%dma_start3A_48 : memref<128xi32, #tpu.memory_space<vmem>>) semaphore(%arg11 : memref<!tpu.dma_semaphore, #tpu.memory_space<semaphore_mem>>)
    %dma_start3A_52 = arith.constant 2 : i32
    %dma_start3A_53 = arith.constant 128 : i32
    %dma_start3A_54 = arith.constant 0 : i32
    %dma_start3A_55 = tpu.memref_slice %arg8[%dma_start3A_53, %dma_start3A_54] : memref<200x64xf32, #tpu.memory_space<vmem>> -> memref<72x64xf32, #tpu.memory_space<vmem>>
    %dma_start3A_56 = arith.constant 128 : i32
    %dma_start3A_57 = tpu.memref_slice %arg5[%dma_start3A_52, %dma_start3A_56] : memref<128x200xi32, #tpu.memory_space<vmem>> -> memref<1x72xi32, #tpu.memory_space<vmem>>
    %dma_start3A_58 = tpu.memref_squeeze %dma_start3A_57 : memref<1x72xi32, #tpu.memory_space<vmem>> -> memref<72xi32, #tpu.memory_space<vmem>>
    %dma_start3A_59 = arith.constant 0 : i32
    %dma_start3A_60 = arith.constant 0 : i32
    %dma_start3A_61 = tpu.memref_slice %arg3[%dma_start3A_59, %dma_start3A_60] : memref<2000000x64xf32, #tpu.memory_space<hbm>> -> memref<2000000x64xf32, #tpu.memory_space<hbm>>
    tpu.enqueue_indirect_dma source(%dma_start3A_61 : memref<2000000x64xf32, #tpu.memory_space<hbm>>) target(%dma_start3A_55 : memref<72x64xf32, #tpu.memory_space<vmem>>) offsets(%dma_start3A_58 : memref<72xi32, #tpu.memory_space<vmem>>) semaphore(%arg11 : memref<!tpu.dma_semaphore, #tpu.memory_space<semaphore_mem>>)
    %dma_wait3A = arith.constant 0 : i32
    %dma_wait3A_62 = arith.constant 0 : i32
    %dma_wait3A_63 = arith.constant 0 : i32
    %dma_wait3A_64 = tpu.memref_slice %arg4[%dma_wait3A, %dma_wait3A_62, %dma_wait3A_63] : memref<4096x200x128xf32, #tpu.memory_space<hbm>> -> memref<1x200x64xf32, #tpu.memory_space<hbm>>
    %dma_wait3A_65 = tpu.memref_squeeze %dma_wait3A_64 : memref<1x200x64xf32, #tpu.memory_space<hbm>> -> memref<200x64xf32, #tpu.memory_space<hbm>>
    %dma_wait3A_66 = arith.constant 0 : i32
    %dma_wait3A_67 = arith.constant 0 : i32
    %dma_wait3A_68 = tpu.memref_slice %arg4[%dma_wait3A, %dma_wait3A_66, %dma_wait3A_67] : memref<4096x200x128xf32, #tpu.memory_space<hbm>> -> memref<1x200x64xf32, #tpu.memory_space<hbm>>
    %dma_wait3A_69 = tpu.memref_squeeze %dma_wait3A_68 : memref<1x200x64xf32, #tpu.memory_space<hbm>> -> memref<200x64xf32, #tpu.memory_space<hbm>>
    tpu.wait_dma2 semaphore(%arg9 : memref<!tpu.dma_semaphore, #tpu.memory_space<semaphore_mem>>) src(%dma_wait3A_69 : memref<200x64xf32, #tpu.memory_space<hbm>>) dst(%arg6 : memref<200x64xf32, #tpu.memory_space<vmem>>)
    %add3A_70 = arith.constant 0 : i32
    %add3A_71 = arith.addi %mul3A_2, %add3A_70 : i32
    %dma_start3A_72 = arith.constant 0 : i32
    %dma_start3A_73 = arith.constant 0 : i32
    %dma_start3A_74 = tpu.memref_slice %arg4[%add3A_71, %dma_start3A_72, %dma_start3A_73] : memref<4096x200x128xf32, #tpu.memory_space<hbm>> -> memref<1x200x64xf32, #tpu.memory_space<hbm>>
    %dma_start3A_75 = tpu.memref_squeeze %dma_start3A_74 : memref<1x200x64xf32, #tpu.memory_space<hbm>> -> memref<200x64xf32, #tpu.memory_space<hbm>>
    %dma_start3A_76 = arith.constant 0 : i32
    %dma_start3A_77 = arith.constant 0 : i32
    %dma_start3A_78 = tpu.memref_slice %arg4[%add3A_71, %dma_start3A_76, %dma_start3A_77] : memref<4096x200x128xf32, #tpu.memory_space<hbm>> -> memref<1x200x64xf32, #tpu.memory_space<hbm>>
    %dma_start3A_79 = tpu.memref_squeeze %dma_start3A_78 : memref<1x200x64xf32, #tpu.memory_space<hbm>> -> memref<200x64xf32, #tpu.memory_space<hbm>>
    tpu.enqueue_dma source(%arg6 : memref<200x64xf32, #tpu.memory_space<vmem>>) target(%dma_start3A_79 : memref<200x64xf32, #tpu.memory_space<hbm>>) target_semaphore(%arg12 : memref<!tpu.dma_semaphore, #tpu.memory_space<semaphore_mem>>)
    %dma_wait3A_80 = arith.constant 0 : i32
    %dma_wait3A_81 = arith.constant 0 : i32
    %dma_wait3A_82 = arith.constant 0 : i32
    %dma_wait3A_83 = tpu.memref_slice %arg4[%dma_wait3A_80, %dma_wait3A_81, %dma_wait3A_82] : memref<4096x200x128xf32, #tpu.memory_space<hbm>> -> memref<1x200x64xf32, #tpu.memory_space<hbm>>
    %dma_wait3A_84 = tpu.memref_squeeze %dma_wait3A_83 : memref<1x200x64xf32, #tpu.memory_space<hbm>> -> memref<200x64xf32, #tpu.memory_space<hbm>>
    %dma_wait3A_85 = arith.constant 0 : i32
    %dma_wait3A_86 = arith.constant 0 : i32
    %dma_wait3A_87 = tpu.memref_slice %arg4[%dma_wait3A_80, %dma_wait3A_85, %dma_wait3A_86] : memref<4096x200x128xf32, #tpu.memory_space<hbm>> -> memref<1x200x64xf32, #tpu.memory_space<hbm>>
    %dma_wait3A_88 = tpu.memref_squeeze %dma_wait3A_87 : memref<1x200x64xf32, #tpu.memory_space<hbm>> -> memref<200x64xf32, #tpu.memory_space<hbm>>
    tpu.wait_dma2 semaphore(%arg10 : memref<!tpu.dma_semaphore, #tpu.memory_space<semaphore_mem>>) src(%dma_wait3A_88 : memref<200x64xf32, #tpu.memory_space<hbm>>) dst(%arg7 : memref<200x64xf32, #tpu.memory_space<vmem>>)
    %add3A_89 = arith.constant 1 : i32
    %add3A_90 = arith.addi %mul3A_2, %add3A_89 : i32
    %dma_start3A_91 = arith.constant 0 : i32
    %dma_start3A_92 = arith.constant 0 : i32
    %dma_start3A_93 = tpu.memref_slice %arg4[%add3A_90, %dma_start3A_91, %dma_start3A_92] : memref<4096x200x128xf32, #tpu.memory_space<hbm>> -> memref<1x200x64xf32, #tpu.memory_space<hbm>>
    %dma_start3A_94 = tpu.memref_squeeze %dma_start3A_93 : memref<1x200x64xf32, #tpu.memory_space<hbm>> -> memref<200x64xf32, #tpu.memory_space<hbm>>
    %dma_start3A_95 = arith.constant 0 : i32
    %dma_start3A_96 = arith.constant 0 : i32
    %dma_start3A_97 = tpu.memref_slice %arg4[%add3A_90, %dma_start3A_95, %dma_start3A_96] : memref<4096x200x128xf32, #tpu.memory_space<hbm>> -> memref<1x200x64xf32, #tpu.memory_space<hbm>>
    %dma_start3A_98 = tpu.memref_squeeze %dma_start3A_97 : memref<1x200x64xf32, #tpu.memory_space<hbm>> -> memref<200x64xf32, #tpu.memory_space<hbm>>
    tpu.enqueue_dma source(%arg7 : memref<200x64xf32, #tpu.memory_space<vmem>>) target(%dma_start3A_98 : memref<200x64xf32, #tpu.memory_space<hbm>>) target_semaphore(%arg13 : memref<!tpu.dma_semaphore, #tpu.memory_space<semaphore_mem>>)
    %scan3A = arith.constant 0 : i32
    %scan3A_99 = arith.constant 1 : i32
    %scan3A_100 = arith.constant 41 : i32
    %scan3A_101 = arith.addi %scan3A_99, %scan3A_100 : i32
    %scan3A_102 = arith.constant 1 : i32
    scf.for %scan3A_246 = %scan3A_99 to %scan3A_101 step %scan3A_102  : i32 {
      %mul3A_247 = arith.constant 3 : i32
      %mul3A_248 = arith.muli %mul3A_247, %scan3A_246 : i32
      %add3A_249 = arith.constant 0 : i32
      %add3A_250 = arith.addi %mul3A_248, %add3A_249 : i32
      %dma_wait3A_251 = arith.constant 0 : i32
      %dma_wait3A_252 = arith.constant 0 : i32
      %dma_wait3A_253 = arith.constant 0 : i32
      %dma_wait3A_254 = tpu.memref_slice %arg4[%dma_wait3A_251, %dma_wait3A_252, %dma_wait3A_253] : memref<4096x200x128xf32, #tpu.memory_space<hbm>> -> memref<1x200x64xf32, #tpu.memory_space<hbm>>
      %dma_wait3A_255 = tpu.memref_squeeze %dma_wait3A_254 : memref<1x200x64xf32, #tpu.memory_space<hbm>> -> memref<200x64xf32, #tpu.memory_space<hbm>>
      %dma_wait3A_256 = arith.constant 0 : i32
      %dma_wait3A_257 = arith.constant 0 : i32
      %dma_wait3A_258 = tpu.memref_slice %arg4[%dma_wait3A_251, %dma_wait3A_256, %dma_wait3A_257] : memref<4096x200x128xf32, #tpu.memory_space<hbm>> -> memref<1x200x64xf32, #tpu.memory_space<hbm>>
      %dma_wait3A_259 = tpu.memref_squeeze %dma_wait3A_258 : memref<1x200x64xf32, #tpu.memory_space<hbm>> -> memref<200x64xf32, #tpu.memory_space<hbm>>
      tpu.wait_dma2 semaphore(%arg12 : memref<!tpu.dma_semaphore, #tpu.memory_space<semaphore_mem>>) src(%arg6 : memref<200x64xf32, #tpu.memory_space<vmem>>) dst(%dma_wait3A_259 : memref<200x64xf32, #tpu.memory_space<hbm>>)
      %dma_start3A_260 = arith.constant 0 : i32
      %dma_start3A_261 = arith.constant 0 : i32
      %dma_start3A_262 = tpu.memref_slice %arg6[%dma_start3A_260, %dma_start3A_261] : memref<200x64xf32, #tpu.memory_space<vmem>> -> memref<128x64xf32, #tpu.memory_space<vmem>>
      %dma_start3A_263 = arith.constant 0 : i32
      %dma_start3A_264 = tpu.memref_slice %arg5[%add3A_250, %dma_start3A_263] : memref<128x200xi32, #tpu.memory_space<vmem>> -> memref<1x128xi32, #tpu.memory_space<vmem>>
      %dma_start3A_265 = tpu.memref_squeeze %dma_start3A_264 : memref<1x128xi32, #tpu.memory_space<vmem>> -> memref<128xi32, #tpu.memory_space<vmem>>
      %dma_start3A_266 = arith.constant 0 : i32
      %dma_start3A_267 = arith.constant 0 : i32
      %dma_start3A_268 = tpu.memref_slice %arg3[%dma_start3A_266, %dma_start3A_267] : memref<2000000x64xf32, #tpu.memory_space<hbm>> -> memref<2000000x64xf32, #tpu.memory_space<hbm>>
      tpu.enqueue_indirect_dma source(%dma_start3A_268 : memref<2000000x64xf32, #tpu.memory_space<hbm>>) target(%dma_start3A_262 : memref<128x64xf32, #tpu.memory_space<vmem>>) offsets(%dma_start3A_265 : memref<128xi32, #tpu.memory_space<vmem>>) semaphore(%arg9 : memref<!tpu.dma_semaphore, #tpu.memory_space<semaphore_mem>>)
      %dma_start3A_269 = arith.constant 128 : i32
      %dma_start3A_270 = arith.constant 0 : i32
      %dma_start3A_271 = tpu.memref_slice %arg6[%dma_start3A_269, %dma_start3A_270] : memref<200x64xf32, #tpu.memory_space<vmem>> -> memref<72x64xf32, #tpu.memory_space<vmem>>
      %dma_start3A_272 = arith.constant 128 : i32
      %dma_start3A_273 = tpu.memref_slice %arg5[%add3A_250, %dma_start3A_272] : memref<128x200xi32, #tpu.memory_space<vmem>> -> memref<1x72xi32, #tpu.memory_space<vmem>>
      %dma_start3A_274 = tpu.memref_squeeze %dma_start3A_273 : memref<1x72xi32, #tpu.memory_space<vmem>> -> memref<72xi32, #tpu.memory_space<vmem>>
      %dma_start3A_275 = arith.constant 0 : i32
      %dma_start3A_276 = arith.constant 0 : i32
      %dma_start3A_277 = tpu.memref_slice %arg3[%dma_start3A_275, %dma_start3A_276] : memref<2000000x64xf32, #tpu.memory_space<hbm>> -> memref<2000000x64xf32, #tpu.memory_space<hbm>>
      tpu.enqueue_indirect_dma source(%dma_start3A_277 : memref<2000000x64xf32, #tpu.memory_space<hbm>>) target(%dma_start3A_271 : memref<72x64xf32, #tpu.memory_space<vmem>>) offsets(%dma_start3A_274 : memref<72xi32, #tpu.memory_space<vmem>>) semaphore(%arg9 : memref<!tpu.dma_semaphore, #tpu.memory_space<semaphore_mem>>)
      %dma_wait3A_278 = arith.constant 0 : i32
      %dma_wait3A_279 = arith.constant 0 : i32
      %dma_wait3A_280 = arith.constant 0 : i32
      %dma_wait3A_281 = tpu.memref_slice %arg4[%dma_wait3A_278, %dma_wait3A_279, %dma_wait3A_280] : memref<4096x200x128xf32, #tpu.memory_space<hbm>> -> memref<1x200x64xf32, #tpu.memory_space<hbm>>
      %dma_wait3A_282 = tpu.memref_squeeze %dma_wait3A_281 : memref<1x200x64xf32, #tpu.memory_space<hbm>> -> memref<200x64xf32, #tpu.memory_space<hbm>>
      %dma_wait3A_283 = arith.constant 0 : i32
      %dma_wait3A_284 = arith.constant 0 : i32
      %dma_wait3A_285 = tpu.memref_slice %arg4[%dma_wait3A_278, %dma_wait3A_283, %dma_wait3A_284] : memref<4096x200x128xf32, #tpu.memory_space<hbm>> -> memref<1x200x64xf32, #tpu.memory_space<hbm>>
      %dma_wait3A_286 = tpu.memref_squeeze %dma_wait3A_285 : memref<1x200x64xf32, #tpu.memory_space<hbm>> -> memref<200x64xf32, #tpu.memory_space<hbm>>
      tpu.wait_dma2 semaphore(%arg11 : memref<!tpu.dma_semaphore, #tpu.memory_space<semaphore_mem>>) src(%dma_wait3A_286 : memref<200x64xf32, #tpu.memory_space<hbm>>) dst(%arg8 : memref<200x64xf32, #tpu.memory_space<vmem>>)
      %sub3A = arith.constant 1 : i32
      %sub3A_287 = arith.subi %add3A_250, %sub3A : i32
      %add3A_288 = arith.addi %mul3A_2, %sub3A_287 : i32
      %dma_start3A_289 = arith.constant 0 : i32
      %dma_start3A_290 = arith.constant 0 : i32
      %dma_start3A_291 = tpu.memref_slice %arg4[%add3A_288, %dma_start3A_289, %dma_start3A_290] : memref<4096x200x128xf32, #tpu.memory_space<hbm>> -> memref<1x200x64xf32, #tpu.memory_space<hbm>>
      %dma_start3A_292 = tpu.memref_squeeze %dma_start3A_291 : memref<1x200x64xf32, #tpu.memory_space<hbm>> -> memref<200x64xf32, #tpu.memory_space<hbm>>
      %dma_start3A_293 = arith.constant 0 : i32
      %dma_start3A_294 = arith.constant 0 : i32
      %dma_start3A_295 = tpu.memref_slice %arg4[%add3A_288, %dma_start3A_293, %dma_start3A_294] : memref<4096x200x128xf32, #tpu.memory_space<hbm>> -> memref<1x200x64xf32, #tpu.memory_space<hbm>>
      %dma_start3A_296 = tpu.memref_squeeze %dma_start3A_295 : memref<1x200x64xf32, #tpu.memory_space<hbm>> -> memref<200x64xf32, #tpu.memory_space<hbm>>
      tpu.enqueue_dma source(%arg8 : memref<200x64xf32, #tpu.memory_space<vmem>>) target(%dma_start3A_296 : memref<200x64xf32, #tpu.memory_space<hbm>>) target_semaphore(%arg14 : memref<!tpu.dma_semaphore, #tpu.memory_space<semaphore_mem>>)
      %mul3A_297 = arith.constant 3 : i32
      %mul3A_298 = arith.muli %mul3A_297, %scan3A_246 : i32
      %add3A_299 = arith.constant 1 : i32
      %add3A_300 = arith.addi %mul3A_298, %add3A_299 : i32
      %dma_wait3A_301 = arith.constant 0 : i32
      %dma_wait3A_302 = arith.constant 0 : i32
      %dma_wait3A_303 = arith.constant 0 : i32
      %dma_wait3A_304 = tpu.memref_slice %arg4[%dma_wait3A_301, %dma_wait3A_302, %dma_wait3A_303] : memref<4096x200x128xf32, #tpu.memory_space<hbm>> -> memref<1x200x64xf32, #tpu.memory_space<hbm>>
      %dma_wait3A_305 = tpu.memref_squeeze %dma_wait3A_304 : memref<1x200x64xf32, #tpu.memory_space<hbm>> -> memref<200x64xf32, #tpu.memory_space<hbm>>
      %dma_wait3A_306 = arith.constant 0 : i32
      %dma_wait3A_307 = arith.constant 0 : i32
      %dma_wait3A_308 = tpu.memref_slice %arg4[%dma_wait3A_301, %dma_wait3A_306, %dma_wait3A_307] : memref<4096x200x128xf32, #tpu.memory_space<hbm>> -> memref<1x200x64xf32, #tpu.memory_space<hbm>>
      %dma_wait3A_309 = tpu.memref_squeeze %dma_wait3A_308 : memref<1x200x64xf32, #tpu.memory_space<hbm>> -> memref<200x64xf32, #tpu.memory_space<hbm>>
      tpu.wait_dma2 semaphore(%arg13 : memref<!tpu.dma_semaphore, #tpu.memory_space<semaphore_mem>>) src(%arg7 : memref<200x64xf32, #tpu.memory_space<vmem>>) dst(%dma_wait3A_309 : memref<200x64xf32, #tpu.memory_space<hbm>>)
      %dma_start3A_310 = arith.constant 0 : i32
      %dma_start3A_311 = arith.constant 0 : i32
      %dma_start3A_312 = tpu.memref_slice %arg7[%dma_start3A_310, %dma_start3A_311] : memref<200x64xf32, #tpu.memory_space<vmem>> -> memref<128x64xf32, #tpu.memory_space<vmem>>
      %dma_start3A_313 = arith.constant 0 : i32
      %dma_start3A_314 = tpu.memref_slice %arg5[%add3A_300, %dma_start3A_313] : memref<128x200xi32, #tpu.memory_space<vmem>> -> memref<1x128xi32, #tpu.memory_space<vmem>>
      %dma_start3A_315 = tpu.memref_squeeze %dma_start3A_314 : memref<1x128xi32, #tpu.memory_space<vmem>> -> memref<128xi32, #tpu.memory_space<vmem>>
      %dma_start3A_316 = arith.constant 0 : i32
      %dma_start3A_317 = arith.constant 0 : i32
      %dma_start3A_318 = tpu.memref_slice %arg3[%dma_start3A_316, %dma_start3A_317] : memref<2000000x64xf32, #tpu.memory_space<hbm>> -> memref<2000000x64xf32, #tpu.memory_space<hbm>>
      tpu.enqueue_indirect_dma source(%dma_start3A_318 : memref<2000000x64xf32, #tpu.memory_space<hbm>>) target(%dma_start3A_312 : memref<128x64xf32, #tpu.memory_space<vmem>>) offsets(%dma_start3A_315 : memref<128xi32, #tpu.memory_space<vmem>>) semaphore(%arg10 : memref<!tpu.dma_semaphore, #tpu.memory_space<semaphore_mem>>)
      %dma_start3A_319 = arith.constant 128 : i32
      %dma_start3A_320 = arith.constant 0 : i32
      %dma_start3A_321 = tpu.memref_slice %arg7[%dma_start3A_319, %dma_start3A_320] : memref<200x64xf32, #tpu.memory_space<vmem>> -> memref<72x64xf32, #tpu.memory_space<vmem>>
      %dma_start3A_322 = arith.constant 128 : i32
      %dma_start3A_323 = tpu.memref_slice %arg5[%add3A_300, %dma_start3A_322] : memref<128x200xi32, #tpu.memory_space<vmem>> -> memref<1x72xi32, #tpu.memory_space<vmem>>
      %dma_start3A_324 = tpu.memref_squeeze %dma_start3A_323 : memref<1x72xi32, #tpu.memory_space<vmem>> -> memref<72xi32, #tpu.memory_space<vmem>>
      %dma_start3A_325 = arith.constant 0 : i32
      %dma_start3A_326 = arith.constant 0 : i32
      %dma_start3A_327 = tpu.memref_slice %arg3[%dma_start3A_325, %dma_start3A_326] : memref<2000000x64xf32, #tpu.memory_space<hbm>> -> memref<2000000x64xf32, #tpu.memory_space<hbm>>
      tpu.enqueue_indirect_dma source(%dma_start3A_327 : memref<2000000x64xf32, #tpu.memory_space<hbm>>) target(%dma_start3A_321 : memref<72x64xf32, #tpu.memory_space<vmem>>) offsets(%dma_start3A_324 : memref<72xi32, #tpu.memory_space<vmem>>) semaphore(%arg10 : memref<!tpu.dma_semaphore, #tpu.memory_space<semaphore_mem>>)
      %dma_wait3A_328 = arith.constant 0 : i32
      %dma_wait3A_329 = arith.constant 0 : i32
      %dma_wait3A_330 = arith.constant 0 : i32
      %dma_wait3A_331 = tpu.memref_slice %arg4[%dma_wait3A_328, %dma_wait3A_329, %dma_wait3A_330] : memref<4096x200x128xf32, #tpu.memory_space<hbm>> -> memref<1x200x64xf32, #tpu.memory_space<hbm>>
      %dma_wait3A_332 = tpu.memref_squeeze %dma_wait3A_331 : memref<1x200x64xf32, #tpu.memory_space<hbm>> -> memref<200x64xf32, #tpu.memory_space<hbm>>
      %dma_wait3A_333 = arith.constant 0 : i32
      %dma_wait3A_334 = arith.constant 0 : i32
      %dma_wait3A_335 = tpu.memref_slice %arg4[%dma_wait3A_328, %dma_wait3A_333, %dma_wait3A_334] : memref<4096x200x128xf32, #tpu.memory_space<hbm>> -> memref<1x200x64xf32, #tpu.memory_space<hbm>>
      %dma_wait3A_336 = tpu.memref_squeeze %dma_wait3A_335 : memref<1x200x64xf32, #tpu.memory_space<hbm>> -> memref<200x64xf32, #tpu.memory_space<hbm>>
      tpu.wait_dma2 semaphore(%arg9 : memref<!tpu.dma_semaphore, #tpu.memory_space<semaphore_mem>>) src(%dma_wait3A_336 : memref<200x64xf32, #tpu.memory_space<hbm>>) dst(%arg6 : memref<200x64xf32, #tpu.memory_space<vmem>>)
      %sub3A_337 = arith.constant 1 : i32
      %sub3A_338 = arith.subi %add3A_300, %sub3A_337 : i32
      %add3A_339 = arith.addi %mul3A_2, %sub3A_338 : i32
      %dma_start3A_340 = arith.constant 0 : i32
      %dma_start3A_341 = arith.constant 0 : i32
      %dma_start3A_342 = tpu.memref_slice %arg4[%add3A_339, %dma_start3A_340, %dma_start3A_341] : memref<4096x200x128xf32, #tpu.memory_space<hbm>> -> memref<1x200x64xf32, #tpu.memory_space<hbm>>
      %dma_start3A_343 = tpu.memref_squeeze %dma_start3A_342 : memref<1x200x64xf32, #tpu.memory_space<hbm>> -> memref<200x64xf32, #tpu.memory_space<hbm>>
      %dma_start3A_344 = arith.constant 0 : i32
      %dma_start3A_345 = arith.constant 0 : i32
      %dma_start3A_346 = tpu.memref_slice %arg4[%add3A_339, %dma_start3A_344, %dma_start3A_345] : memref<4096x200x128xf32, #tpu.memory_space<hbm>> -> memref<1x200x64xf32, #tpu.memory_space<hbm>>
      %dma_start3A_347 = tpu.memref_squeeze %dma_start3A_346 : memref<1x200x64xf32, #tpu.memory_space<hbm>> -> memref<200x64xf32, #tpu.memory_space<hbm>>
      tpu.enqueue_dma source(%arg6 : memref<200x64xf32, #tpu.memory_space<vmem>>) target(%dma_start3A_347 : memref<200x64xf32, #tpu.memory_space<hbm>>) target_semaphore(%arg12 : memref<!tpu.dma_semaphore, #tpu.memory_space<semaphore_mem>>)
      %mul3A_348 = arith.constant 3 : i32
      %mul3A_349 = arith.muli %mul3A_348, %scan3A_246 : i32
      %add3A_350 = arith.constant 2 : i32
      %add3A_351 = arith.addi %mul3A_349, %add3A_350 : i32
      %dma_wait3A_352 = arith.constant 0 : i32
      %dma_wait3A_353 = arith.constant 0 : i32
      %dma_wait3A_354 = arith.constant 0 : i32
      %dma_wait3A_355 = tpu.memref_slice %arg4[%dma_wait3A_352, %dma_wait3A_353, %dma_wait3A_354] : memref<4096x200x128xf32, #tpu.memory_space<hbm>> -> memref<1x200x64xf32, #tpu.memory_space<hbm>>
      %dma_wait3A_356 = tpu.memref_squeeze %dma_wait3A_355 : memref<1x200x64xf32, #tpu.memory_space<hbm>> -> memref<200x64xf32, #tpu.memory_space<hbm>>
      %dma_wait3A_357 = arith.constant 0 : i32
      %dma_wait3A_358 = arith.constant 0 : i32
      %dma_wait3A_359 = tpu.memref_slice %arg4[%dma_wait3A_352, %dma_wait3A_357, %dma_wait3A_358] : memref<4096x200x128xf32, #tpu.memory_space<hbm>> -> memref<1x200x64xf32, #tpu.memory_space<hbm>>
      %dma_wait3A_360 = tpu.memref_squeeze %dma_wait3A_359 : memref<1x200x64xf32, #tpu.memory_space<hbm>> -> memref<200x64xf32, #tpu.memory_space<hbm>>
      tpu.wait_dma2 semaphore(%arg14 : memref<!tpu.dma_semaphore, #tpu.memory_space<semaphore_mem>>) src(%arg8 : memref<200x64xf32, #tpu.memory_space<vmem>>) dst(%dma_wait3A_360 : memref<200x64xf32, #tpu.memory_space<hbm>>)
      %dma_start3A_361 = arith.constant 0 : i32
      %dma_start3A_362 = arith.constant 0 : i32
      %dma_start3A_363 = tpu.memref_slice %arg8[%dma_start3A_361, %dma_start3A_362] : memref<200x64xf32, #tpu.memory_space<vmem>> -> memref<128x64xf32, #tpu.memory_space<vmem>>
      %dma_start3A_364 = arith.constant 0 : i32
      %dma_start3A_365 = tpu.memref_slice %arg5[%add3A_351, %dma_start3A_364] : memref<128x200xi32, #tpu.memory_space<vmem>> -> memref<1x128xi32, #tpu.memory_space<vmem>>
      %dma_start3A_366 = tpu.memref_squeeze %dma_start3A_365 : memref<1x128xi32, #tpu.memory_space<vmem>> -> memref<128xi32, #tpu.memory_space<vmem>>
      %dma_start3A_367 = arith.constant 0 : i32
      %dma_start3A_368 = arith.constant 0 : i32
      %dma_start3A_369 = tpu.memref_slice %arg3[%dma_start3A_367, %dma_start3A_368] : memref<2000000x64xf32, #tpu.memory_space<hbm>> -> memref<2000000x64xf32, #tpu.memory_space<hbm>>
      tpu.enqueue_indirect_dma source(%dma_start3A_369 : memref<2000000x64xf32, #tpu.memory_space<hbm>>) target(%dma_start3A_363 : memref<128x64xf32, #tpu.memory_space<vmem>>) offsets(%dma_start3A_366 : memref<128xi32, #tpu.memory_space<vmem>>) semaphore(%arg11 : memref<!tpu.dma_semaphore, #tpu.memory_space<semaphore_mem>>)
      %dma_start3A_370 = arith.constant 128 : i32
      %dma_start3A_371 = arith.constant 0 : i32
      %dma_start3A_372 = tpu.memref_slice %arg8[%dma_start3A_370, %dma_start3A_371] : memref<200x64xf32, #tpu.memory_space<vmem>> -> memref<72x64xf32, #tpu.memory_space<vmem>>
      %dma_start3A_373 = arith.constant 128 : i32
      %dma_start3A_374 = tpu.memref_slice %arg5[%add3A_351, %dma_start3A_373] : memref<128x200xi32, #tpu.memory_space<vmem>> -> memref<1x72xi32, #tpu.memory_space<vmem>>
      %dma_start3A_375 = tpu.memref_squeeze %dma_start3A_374 : memref<1x72xi32, #tpu.memory_space<vmem>> -> memref<72xi32, #tpu.memory_space<vmem>>
      %dma_start3A_376 = arith.constant 0 : i32
      %dma_start3A_377 = arith.constant 0 : i32
      %dma_start3A_378 = tpu.memref_slice %arg3[%dma_start3A_376, %dma_start3A_377] : memref<2000000x64xf32, #tpu.memory_space<hbm>> -> memref<2000000x64xf32, #tpu.memory_space<hbm>>
      tpu.enqueue_indirect_dma source(%dma_start3A_378 : memref<2000000x64xf32, #tpu.memory_space<hbm>>) target(%dma_start3A_372 : memref<72x64xf32, #tpu.memory_space<vmem>>) offsets(%dma_start3A_375 : memref<72xi32, #tpu.memory_space<vmem>>) semaphore(%arg11 : memref<!tpu.dma_semaphore, #tpu.memory_space<semaphore_mem>>)
      %dma_wait3A_379 = arith.constant 0 : i32
      %dma_wait3A_380 = arith.constant 0 : i32
      %dma_wait3A_381 = arith.constant 0 : i32
      %dma_wait3A_382 = tpu.memref_slice %arg4[%dma_wait3A_379, %dma_wait3A_380, %dma_wait3A_381] : memref<4096x200x128xf32, #tpu.memory_space<hbm>> -> memref<1x200x64xf32, #tpu.memory_space<hbm>>
      %dma_wait3A_383 = tpu.memref_squeeze %dma_wait3A_382 : memref<1x200x64xf32, #tpu.memory_space<hbm>> -> memref<200x64xf32, #tpu.memory_space<hbm>>
      %dma_wait3A_384 = arith.constant 0 : i32
      %dma_wait3A_385 = arith.constant 0 : i32
      %dma_wait3A_386 = tpu.memref_slice %arg4[%dma_wait3A_379, %dma_wait3A_384, %dma_wait3A_385] : memref<4096x200x128xf32, #tpu.memory_space<hbm>> -> memref<1x200x64xf32, #tpu.memory_space<hbm>>
      %dma_wait3A_387 = tpu.memref_squeeze %dma_wait3A_386 : memref<1x200x64xf32, #tpu.memory_space<hbm>> -> memref<200x64xf32, #tpu.memory_space<hbm>>
      tpu.wait_dma2 semaphore(%arg10 : memref<!tpu.dma_semaphore, #tpu.memory_space<semaphore_mem>>) src(%dma_wait3A_387 : memref<200x64xf32, #tpu.memory_space<hbm>>) dst(%arg7 : memref<200x64xf32, #tpu.memory_space<vmem>>)
      %sub3A_388 = arith.constant 1 : i32
      %sub3A_389 = arith.subi %add3A_351, %sub3A_388 : i32
      %add3A_390 = arith.addi %mul3A_2, %sub3A_389 : i32
      %dma_start3A_391 = arith.constant 0 : i32
      %dma_start3A_392 = arith.constant 0 : i32
      %dma_start3A_393 = tpu.memref_slice %arg4[%add3A_390, %dma_start3A_391, %dma_start3A_392] : memref<4096x200x128xf32, #tpu.memory_space<hbm>> -> memref<1x200x64xf32, #tpu.memory_space<hbm>>
      %dma_start3A_394 = tpu.memref_squeeze %dma_start3A_393 : memref<1x200x64xf32, #tpu.memory_space<hbm>> -> memref<200x64xf32, #tpu.memory_space<hbm>>
      %dma_start3A_395 = arith.constant 0 : i32
      %dma_start3A_396 = arith.constant 0 : i32
      %dma_start3A_397 = tpu.memref_slice %arg4[%add3A_390, %dma_start3A_395, %dma_start3A_396] : memref<4096x200x128xf32, #tpu.memory_space<hbm>> -> memref<1x200x64xf32, #tpu.memory_space<hbm>>
      %dma_start3A_398 = tpu.memref_squeeze %dma_start3A_397 : memref<1x200x64xf32, #tpu.memory_space<hbm>> -> memref<200x64xf32, #tpu.memory_space<hbm>>
      tpu.enqueue_dma source(%arg7 : memref<200x64xf32, #tpu.memory_space<vmem>>) target(%dma_start3A_398 : memref<200x64xf32, #tpu.memory_space<hbm>>) target_semaphore(%arg13 : memref<!tpu.dma_semaphore, #tpu.memory_space<semaphore_mem>>)
    }
    %scan3A_103 = arith.constant 41 : i32
    %dma_wait3A_104 = arith.constant 0 : i32
    %dma_wait3A_105 = arith.constant 0 : i32
    %dma_wait3A_106 = arith.constant 0 : i32
    %dma_wait3A_107 = tpu.memref_slice %arg4[%dma_wait3A_104, %dma_wait3A_105, %dma_wait3A_106] : memref<4096x200x128xf32, #tpu.memory_space<hbm>> -> memref<1x200x64xf32, #tpu.memory_space<hbm>>
    %dma_wait3A_108 = tpu.memref_squeeze %dma_wait3A_107 : memref<1x200x64xf32, #tpu.memory_space<hbm>> -> memref<200x64xf32, #tpu.memory_space<hbm>>
    %dma_wait3A_109 = arith.constant 0 : i32
    %dma_wait3A_110 = arith.constant 0 : i32
    %dma_wait3A_111 = tpu.memref_slice %arg4[%dma_wait3A_104, %dma_wait3A_109, %dma_wait3A_110] : memref<4096x200x128xf32, #tpu.memory_space<hbm>> -> memref<1x200x64xf32, #tpu.memory_space<hbm>>
    %dma_wait3A_112 = tpu.memref_squeeze %dma_wait3A_111 : memref<1x200x64xf32, #tpu.memory_space<hbm>> -> memref<200x64xf32, #tpu.memory_space<hbm>>
    tpu.wait_dma2 semaphore(%arg12 : memref<!tpu.dma_semaphore, #tpu.memory_space<semaphore_mem>>) src(%arg6 : memref<200x64xf32, #tpu.memory_space<vmem>>) dst(%dma_wait3A_112 : memref<200x64xf32, #tpu.memory_space<hbm>>)
    %dma_start3A_113 = arith.constant 126 : i32
    %dma_start3A_114 = arith.constant 0 : i32
    %dma_start3A_115 = arith.constant 0 : i32
    %dma_start3A_116 = tpu.memref_slice %arg6[%dma_start3A_114, %dma_start3A_115] : memref<200x64xf32, #tpu.memory_space<vmem>> -> memref<128x64xf32, #tpu.memory_space<vmem>>
    %dma_start3A_117 = arith.constant 0 : i32
    %dma_start3A_118 = tpu.memref_slice %arg5[%dma_start3A_113, %dma_start3A_117] : memref<128x200xi32, #tpu.memory_space<vmem>> -> memref<1x128xi32, #tpu.memory_space<vmem>>
    %dma_start3A_119 = tpu.memref_squeeze %dma_start3A_118 : memref<1x128xi32, #tpu.memory_space<vmem>> -> memref<128xi32, #tpu.memory_space<vmem>>
    %dma_start3A_120 = arith.constant 0 : i32
    %dma_start3A_121 = arith.constant 0 : i32
    %dma_start3A_122 = tpu.memref_slice %arg3[%dma_start3A_120, %dma_start3A_121] : memref<2000000x64xf32, #tpu.memory_space<hbm>> -> memref<2000000x64xf32, #tpu.memory_space<hbm>>
    tpu.enqueue_indirect_dma source(%dma_start3A_122 : memref<2000000x64xf32, #tpu.memory_space<hbm>>) target(%dma_start3A_116 : memref<128x64xf32, #tpu.memory_space<vmem>>) offsets(%dma_start3A_119 : memref<128xi32, #tpu.memory_space<vmem>>) semaphore(%arg9 : memref<!tpu.dma_semaphore, #tpu.memory_space<semaphore_mem>>)
    %dma_start3A_123 = arith.constant 126 : i32
    %dma_start3A_124 = arith.constant 128 : i32
    %dma_start3A_125 = arith.constant 0 : i32
    %dma_start3A_126 = tpu.memref_slice %arg6[%dma_start3A_124, %dma_start3A_125] : memref<200x64xf32, #tpu.memory_space<vmem>> -> memref<72x64xf32, #tpu.memory_space<vmem>>
    %dma_start3A_127 = arith.constant 128 : i32
    %dma_start3A_128 = tpu.memref_slice %arg5[%dma_start3A_123, %dma_start3A_127] : memref<128x200xi32, #tpu.memory_space<vmem>> -> memref<1x72xi32, #tpu.memory_space<vmem>>
    %dma_start3A_129 = tpu.memref_squeeze %dma_start3A_128 : memref<1x72xi32, #tpu.memory_space<vmem>> -> memref<72xi32, #tpu.memory_space<vmem>>
    %dma_start3A_130 = arith.constant 0 : i32
    %dma_start3A_131 = arith.constant 0 : i32
    %dma_start3A_132 = tpu.memref_slice %arg3[%dma_start3A_130, %dma_start3A_131] : memref<2000000x64xf32, #tpu.memory_space<hbm>> -> memref<2000000x64xf32, #tpu.memory_space<hbm>>
    tpu.enqueue_indirect_dma source(%dma_start3A_132 : memref<2000000x64xf32, #tpu.memory_space<hbm>>) target(%dma_start3A_126 : memref<72x64xf32, #tpu.memory_space<vmem>>) offsets(%dma_start3A_129 : memref<72xi32, #tpu.memory_space<vmem>>) semaphore(%arg9 : memref<!tpu.dma_semaphore, #tpu.memory_space<semaphore_mem>>)
    %dma_wait3A_133 = arith.constant 0 : i32
    %dma_wait3A_134 = arith.constant 0 : i32
    %dma_wait3A_135 = arith.constant 0 : i32
    %dma_wait3A_136 = tpu.memref_slice %arg4[%dma_wait3A_133, %dma_wait3A_134, %dma_wait3A_135] : memref<4096x200x128xf32, #tpu.memory_space<hbm>> -> memref<1x200x64xf32, #tpu.memory_space<hbm>>
    %dma_wait3A_137 = tpu.memref_squeeze %dma_wait3A_136 : memref<1x200x64xf32, #tpu.memory_space<hbm>> -> memref<200x64xf32, #tpu.memory_space<hbm>>
    %dma_wait3A_138 = arith.constant 0 : i32
    %dma_wait3A_139 = arith.constant 0 : i32
    %dma_wait3A_140 = tpu.memref_slice %arg4[%dma_wait3A_133, %dma_wait3A_138, %dma_wait3A_139] : memref<4096x200x128xf32, #tpu.memory_space<hbm>> -> memref<1x200x64xf32, #tpu.memory_space<hbm>>
    %dma_wait3A_141 = tpu.memref_squeeze %dma_wait3A_140 : memref<1x200x64xf32, #tpu.memory_space<hbm>> -> memref<200x64xf32, #tpu.memory_space<hbm>>
    tpu.wait_dma2 semaphore(%arg11 : memref<!tpu.dma_semaphore, #tpu.memory_space<semaphore_mem>>) src(%dma_wait3A_141 : memref<200x64xf32, #tpu.memory_space<hbm>>) dst(%arg8 : memref<200x64xf32, #tpu.memory_space<vmem>>)
    %add3A_142 = arith.constant 125 : i32
    %add3A_143 = arith.addi %mul3A_2, %add3A_142 : i32
    %dma_start3A_144 = arith.constant 0 : i32
    %dma_start3A_145 = arith.constant 0 : i32
    %dma_start3A_146 = tpu.memref_slice %arg4[%add3A_143, %dma_start3A_144, %dma_start3A_145] : memref<4096x200x128xf32, #tpu.memory_space<hbm>> -> memref<1x200x64xf32, #tpu.memory_space<hbm>>
    %dma_start3A_147 = tpu.memref_squeeze %dma_start3A_146 : memref<1x200x64xf32, #tpu.memory_space<hbm>> -> memref<200x64xf32, #tpu.memory_space<hbm>>
    %dma_start3A_148 = arith.constant 0 : i32
    %dma_start3A_149 = arith.constant 0 : i32
    %dma_start3A_150 = tpu.memref_slice %arg4[%add3A_143, %dma_start3A_148, %dma_start3A_149] : memref<4096x200x128xf32, #tpu.memory_space<hbm>> -> memref<1x200x64xf32, #tpu.memory_space<hbm>>
    %dma_start3A_151 = tpu.memref_squeeze %dma_start3A_150 : memref<1x200x64xf32, #tpu.memory_space<hbm>> -> memref<200x64xf32, #tpu.memory_space<hbm>>
    tpu.enqueue_dma source(%arg8 : memref<200x64xf32, #tpu.memory_space<vmem>>) target(%dma_start3A_151 : memref<200x64xf32, #tpu.memory_space<hbm>>) target_semaphore(%arg14 : memref<!tpu.dma_semaphore, #tpu.memory_space<semaphore_mem>>)
    %dma_wait3A_152 = arith.constant 0 : i32
    %dma_wait3A_153 = arith.constant 0 : i32
    %dma_wait3A_154 = arith.constant 0 : i32
    %dma_wait3A_155 = tpu.memref_slice %arg4[%dma_wait3A_152, %dma_wait3A_153, %dma_wait3A_154] : memref<4096x200x128xf32, #tpu.memory_space<hbm>> -> memref<1x200x64xf32, #tpu.memory_space<hbm>>
    %dma_wait3A_156 = tpu.memref_squeeze %dma_wait3A_155 : memref<1x200x64xf32, #tpu.memory_space<hbm>> -> memref<200x64xf32, #tpu.memory_space<hbm>>
    %dma_wait3A_157 = arith.constant 0 : i32
    %dma_wait3A_158 = arith.constant 0 : i32
    %dma_wait3A_159 = tpu.memref_slice %arg4[%dma_wait3A_152, %dma_wait3A_157, %dma_wait3A_158] : memref<4096x200x128xf32, #tpu.memory_space<hbm>> -> memref<1x200x64xf32, #tpu.memory_space<hbm>>
    %dma_wait3A_160 = tpu.memref_squeeze %dma_wait3A_159 : memref<1x200x64xf32, #tpu.memory_space<hbm>> -> memref<200x64xf32, #tpu.memory_space<hbm>>
    tpu.wait_dma2 semaphore(%arg13 : memref<!tpu.dma_semaphore, #tpu.memory_space<semaphore_mem>>) src(%arg7 : memref<200x64xf32, #tpu.memory_space<vmem>>) dst(%dma_wait3A_160 : memref<200x64xf32, #tpu.memory_space<hbm>>)
    %dma_start3A_161 = arith.constant 127 : i32
    %dma_start3A_162 = arith.constant 0 : i32
    %dma_start3A_163 = arith.constant 0 : i32
    %dma_start3A_164 = tpu.memref_slice %arg7[%dma_start3A_162, %dma_start3A_163] : memref<200x64xf32, #tpu.memory_space<vmem>> -> memref<128x64xf32, #tpu.memory_space<vmem>>
    %dma_start3A_165 = arith.constant 0 : i32
    %dma_start3A_166 = tpu.memref_slice %arg5[%dma_start3A_161, %dma_start3A_165] : memref<128x200xi32, #tpu.memory_space<vmem>> -> memref<1x128xi32, #tpu.memory_space<vmem>>
    %dma_start3A_167 = tpu.memref_squeeze %dma_start3A_166 : memref<1x128xi32, #tpu.memory_space<vmem>> -> memref<128xi32, #tpu.memory_space<vmem>>
    %dma_start3A_168 = arith.constant 0 : i32
    %dma_start3A_169 = arith.constant 0 : i32
    %dma_start3A_170 = tpu.memref_slice %arg3[%dma_start3A_168, %dma_start3A_169] : memref<2000000x64xf32, #tpu.memory_space<hbm>> -> memref<2000000x64xf32, #tpu.memory_space<hbm>>
    tpu.enqueue_indirect_dma source(%dma_start3A_170 : memref<2000000x64xf32, #tpu.memory_space<hbm>>) target(%dma_start3A_164 : memref<128x64xf32, #tpu.memory_space<vmem>>) offsets(%dma_start3A_167 : memref<128xi32, #tpu.memory_space<vmem>>) semaphore(%arg10 : memref<!tpu.dma_semaphore, #tpu.memory_space<semaphore_mem>>)
    %dma_start3A_171 = arith.constant 127 : i32
    %dma_start3A_172 = arith.constant 128 : i32
    %dma_start3A_173 = arith.constant 0 : i32
    %dma_start3A_174 = tpu.memref_slice %arg7[%dma_start3A_172, %dma_start3A_173] : memref<200x64xf32, #tpu.memory_space<vmem>> -> memref<72x64xf32, #tpu.memory_space<vmem>>
    %dma_start3A_175 = arith.constant 128 : i32
    %dma_start3A_176 = tpu.memref_slice %arg5[%dma_start3A_171, %dma_start3A_175] : memref<128x200xi32, #tpu.memory_space<vmem>> -> memref<1x72xi32, #tpu.memory_space<vmem>>
    %dma_start3A_177 = tpu.memref_squeeze %dma_start3A_176 : memref<1x72xi32, #tpu.memory_space<vmem>> -> memref<72xi32, #tpu.memory_space<vmem>>
    %dma_start3A_178 = arith.constant 0 : i32
    %dma_start3A_179 = arith.constant 0 : i32
    %dma_start3A_180 = tpu.memref_slice %arg3[%dma_start3A_178, %dma_start3A_179] : memref<2000000x64xf32, #tpu.memory_space<hbm>> -> memref<2000000x64xf32, #tpu.memory_space<hbm>>
    tpu.enqueue_indirect_dma source(%dma_start3A_180 : memref<2000000x64xf32, #tpu.memory_space<hbm>>) target(%dma_start3A_174 : memref<72x64xf32, #tpu.memory_space<vmem>>) offsets(%dma_start3A_177 : memref<72xi32, #tpu.memory_space<vmem>>) semaphore(%arg10 : memref<!tpu.dma_semaphore, #tpu.memory_space<semaphore_mem>>)
    %dma_wait3A_181 = arith.constant 0 : i32
    %dma_wait3A_182 = arith.constant 0 : i32
    %dma_wait3A_183 = arith.constant 0 : i32
    %dma_wait3A_184 = tpu.memref_slice %arg4[%dma_wait3A_181, %dma_wait3A_182, %dma_wait3A_183] : memref<4096x200x128xf32, #tpu.memory_space<hbm>> -> memref<1x200x64xf32, #tpu.memory_space<hbm>>
    %dma_wait3A_185 = tpu.memref_squeeze %dma_wait3A_184 : memref<1x200x64xf32, #tpu.memory_space<hbm>> -> memref<200x64xf32, #tpu.memory_space<hbm>>
    %dma_wait3A_186 = arith.constant 0 : i32
    %dma_wait3A_187 = arith.constant 0 : i32
    %dma_wait3A_188 = tpu.memref_slice %arg4[%dma_wait3A_181, %dma_wait3A_186, %dma_wait3A_187] : memref<4096x200x128xf32, #tpu.memory_space<hbm>> -> memref<1x200x64xf32, #tpu.memory_space<hbm>>
    %dma_wait3A_189 = tpu.memref_squeeze %dma_wait3A_188 : memref<1x200x64xf32, #tpu.memory_space<hbm>> -> memref<200x64xf32, #tpu.memory_space<hbm>>
    tpu.wait_dma2 semaphore(%arg9 : memref<!tpu.dma_semaphore, #tpu.memory_space<semaphore_mem>>) src(%dma_wait3A_189 : memref<200x64xf32, #tpu.memory_space<hbm>>) dst(%arg6 : memref<200x64xf32, #tpu.memory_space<vmem>>)
    %add3A_190 = arith.constant 126 : i32
    %add3A_191 = arith.addi %mul3A_2, %add3A_190 : i32
    %dma_start3A_192 = arith.constant 0 : i32
    %dma_start3A_193 = arith.constant 0 : i32
    %dma_start3A_194 = tpu.memref_slice %arg4[%add3A_191, %dma_start3A_192, %dma_start3A_193] : memref<4096x200x128xf32, #tpu.memory_space<hbm>> -> memref<1x200x64xf32, #tpu.memory_space<hbm>>
    %dma_start3A_195 = tpu.memref_squeeze %dma_start3A_194 : memref<1x200x64xf32, #tpu.memory_space<hbm>> -> memref<200x64xf32, #tpu.memory_space<hbm>>
    %dma_start3A_196 = arith.constant 0 : i32
    %dma_start3A_197 = arith.constant 0 : i32
    %dma_start3A_198 = tpu.memref_slice %arg4[%add3A_191, %dma_start3A_196, %dma_start3A_197] : memref<4096x200x128xf32, #tpu.memory_space<hbm>> -> memref<1x200x64xf32, #tpu.memory_space<hbm>>
    %dma_start3A_199 = tpu.memref_squeeze %dma_start3A_198 : memref<1x200x64xf32, #tpu.memory_space<hbm>> -> memref<200x64xf32, #tpu.memory_space<hbm>>
    tpu.enqueue_dma source(%arg6 : memref<200x64xf32, #tpu.memory_space<vmem>>) target(%dma_start3A_199 : memref<200x64xf32, #tpu.memory_space<hbm>>) target_semaphore(%arg12 : memref<!tpu.dma_semaphore, #tpu.memory_space<semaphore_mem>>)
    %dma_wait3A_200 = arith.constant 0 : i32
    %dma_wait3A_201 = arith.constant 0 : i32
    %dma_wait3A_202 = arith.constant 0 : i32
    %dma_wait3A_203 = tpu.memref_slice %arg4[%dma_wait3A_200, %dma_wait3A_201, %dma_wait3A_202] : memref<4096x200x128xf32, #tpu.memory_space<hbm>> -> memref<1x200x64xf32, #tpu.memory_space<hbm>>
    %dma_wait3A_204 = tpu.memref_squeeze %dma_wait3A_203 : memref<1x200x64xf32, #tpu.memory_space<hbm>> -> memref<200x64xf32, #tpu.memory_space<hbm>>
    %dma_wait3A_205 = arith.constant 0 : i32
    %dma_wait3A_206 = arith.constant 0 : i32
    %dma_wait3A_207 = tpu.memref_slice %arg4[%dma_wait3A_200, %dma_wait3A_205, %dma_wait3A_206] : memref<4096x200x128xf32, #tpu.memory_space<hbm>> -> memref<1x200x64xf32, #tpu.memory_space<hbm>>
    %dma_wait3A_208 = tpu.memref_squeeze %dma_wait3A_207 : memref<1x200x64xf32, #tpu.memory_space<hbm>> -> memref<200x64xf32, #tpu.memory_space<hbm>>
    tpu.wait_dma2 semaphore(%arg10 : memref<!tpu.dma_semaphore, #tpu.memory_space<semaphore_mem>>) src(%dma_wait3A_208 : memref<200x64xf32, #tpu.memory_space<hbm>>) dst(%arg7 : memref<200x64xf32, #tpu.memory_space<vmem>>)
    %add3A_209 = arith.constant 127 : i32
    %add3A_210 = arith.addi %mul3A_2, %add3A_209 : i32
    %dma_start3A_211 = arith.constant 0 : i32
    %dma_start3A_212 = arith.constant 0 : i32
    %dma_start3A_213 = tpu.memref_slice %arg4[%add3A_210, %dma_start3A_211, %dma_start3A_212] : memref<4096x200x128xf32, #tpu.memory_space<hbm>> -> memref<1x200x64xf32, #tpu.memory_space<hbm>>
    %dma_start3A_214 = tpu.memref_squeeze %dma_start3A_213 : memref<1x200x64xf32, #tpu.memory_space<hbm>> -> memref<200x64xf32, #tpu.memory_space<hbm>>
    %dma_start3A_215 = arith.constant 0 : i32
    %dma_start3A_216 = arith.constant 0 : i32
    %dma_start3A_217 = tpu.memref_slice %arg4[%add3A_210, %dma_start3A_215, %dma_start3A_216] : memref<4096x200x128xf32, #tpu.memory_space<hbm>> -> memref<1x200x64xf32, #tpu.memory_space<hbm>>
    %dma_start3A_218 = tpu.memref_squeeze %dma_start3A_217 : memref<1x200x64xf32, #tpu.memory_space<hbm>> -> memref<200x64xf32, #tpu.memory_space<hbm>>
    tpu.enqueue_dma source(%arg7 : memref<200x64xf32, #tpu.memory_space<vmem>>) target(%dma_start3A_218 : memref<200x64xf32, #tpu.memory_space<hbm>>) target_semaphore(%arg13 : memref<!tpu.dma_semaphore, #tpu.memory_space<semaphore_mem>>)
    %dma_wait3A_219 = arith.constant 0 : i32
    %dma_wait3A_220 = arith.constant 0 : i32
    %dma_wait3A_221 = arith.constant 0 : i32
    %dma_wait3A_222 = tpu.memref_slice %arg4[%dma_wait3A_219, %dma_wait3A_220, %dma_wait3A_221] : memref<4096x200x128xf32, #tpu.memory_space<hbm>> -> memref<1x200x64xf32, #tpu.memory_space<hbm>>
    %dma_wait3A_223 = tpu.memref_squeeze %dma_wait3A_222 : memref<1x200x64xf32, #tpu.memory_space<hbm>> -> memref<200x64xf32, #tpu.memory_space<hbm>>
    %dma_wait3A_224 = arith.constant 0 : i32
    %dma_wait3A_225 = arith.constant 0 : i32
    %dma_wait3A_226 = tpu.memref_slice %arg4[%dma_wait3A_219, %dma_wait3A_224, %dma_wait3A_225] : memref<4096x200x128xf32, #tpu.memory_space<hbm>> -> memref<1x200x64xf32, #tpu.memory_space<hbm>>
    %dma_wait3A_227 = tpu.memref_squeeze %dma_wait3A_226 : memref<1x200x64xf32, #tpu.memory_space<hbm>> -> memref<200x64xf32, #tpu.memory_space<hbm>>
    tpu.wait_dma2 semaphore(%arg12 : memref<!tpu.dma_semaphore, #tpu.memory_space<semaphore_mem>>) src(%arg6 : memref<200x64xf32, #tpu.memory_space<vmem>>) dst(%dma_wait3A_227 : memref<200x64xf32, #tpu.memory_space<hbm>>)
    %dma_wait3A_228 = arith.constant 0 : i32
    %dma_wait3A_229 = arith.constant 0 : i32
    %dma_wait3A_230 = arith.constant 0 : i32
    %dma_wait3A_231 = tpu.memref_slice %arg4[%dma_wait3A_228, %dma_wait3A_229, %dma_wait3A_230] : memref<4096x200x128xf32, #tpu.memory_space<hbm>> -> memref<1x200x64xf32, #tpu.memory_space<hbm>>
    %dma_wait3A_232 = tpu.memref_squeeze %dma_wait3A_231 : memref<1x200x64xf32, #tpu.memory_space<hbm>> -> memref<200x64xf32, #tpu.memory_space<hbm>>
    %dma_wait3A_233 = arith.constant 0 : i32
    %dma_wait3A_234 = arith.constant 0 : i32
    %dma_wait3A_235 = tpu.memref_slice %arg4[%dma_wait3A_228, %dma_wait3A_233, %dma_wait3A_234] : memref<4096x200x128xf32, #tpu.memory_space<hbm>> -> memref<1x200x64xf32, #tpu.memory_space<hbm>>
    %dma_wait3A_236 = tpu.memref_squeeze %dma_wait3A_235 : memref<1x200x64xf32, #tpu.memory_space<hbm>> -> memref<200x64xf32, #tpu.memory_space<hbm>>
    tpu.wait_dma2 semaphore(%arg13 : memref<!tpu.dma_semaphore, #tpu.memory_space<semaphore_mem>>) src(%arg7 : memref<200x64xf32, #tpu.memory_space<vmem>>) dst(%dma_wait3A_236 : memref<200x64xf32, #tpu.memory_space<hbm>>)
    %dma_wait3A_237 = arith.constant 0 : i32
    %dma_wait3A_238 = arith.constant 0 : i32
    %dma_wait3A_239 = arith.constant 0 : i32
    %dma_wait3A_240 = tpu.memref_slice %arg4[%dma_wait3A_237, %dma_wait3A_238, %dma_wait3A_239] : memref<4096x200x128xf32, #tpu.memory_space<hbm>> -> memref<1x200x64xf32, #tpu.memory_space<hbm>>
    %dma_wait3A_241 = tpu.memref_squeeze %dma_wait3A_240 : memref<1x200x64xf32, #tpu.memory_space<hbm>> -> memref<200x64xf32, #tpu.memory_space<hbm>>
    %dma_wait3A_242 = arith.constant 0 : i32
    %dma_wait3A_243 = arith.constant 0 : i32
    %dma_wait3A_244 = tpu.memref_slice %arg4[%dma_wait3A_237, %dma_wait3A_242, %dma_wait3A_243] : memref<4096x200x128xf32, #tpu.memory_space<hbm>> -> memref<1x200x64xf32, #tpu.memory_space<hbm>>
    %dma_wait3A_245 = tpu.memref_squeeze %dma_wait3A_244 : memref<1x200x64xf32, #tpu.memory_space<hbm>> -> memref<200x64xf32, #tpu.memory_space<hbm>>
    tpu.wait_dma2 semaphore(%arg14 : memref<!tpu.dma_semaphore, #tpu.memory_space<semaphore_mem>>) src(%arg8 : memref<200x64xf32, #tpu.memory_space<vmem>>) dst(%dma_wait3A_245 : memref<200x64xf32, #tpu.memory_space<hbm>>)
    return
  }
}

</mosaic_0001>

<sc_bundles>
// kernel: kernel.3.cloned.1.call-start
scs
__scs_entry_jumppad:
0x0: {  	(pc) =	sbr.rel $0x88, $3  }
0x1: {  	(tag) =	ssettag $0x0;
	lr =	simm.s32 $0x1  }
0x2: {  	[smem:$0x3F9F] =	sst lr;
	_ =	strace $0xD0000000  }
0x3: {  	_ = 	snop  }
0x4: {  	_ = 	snop  }
0x5: {  	_ = 	snop  }
0x6: {  	_ = 	snop  }
0x7: {  	_ = 	snop  }
__scs_overlays_trampoline_lowered:
0x8: {  	[smem:$0x3FAE] =	sst s0  }
0x9: {  	[smem:$0x3FAF] =	sst s1  }
0xa: {  	[smem:$0x3FB0] =	sst s2  }
0xb: {  	[smem:$0x3FB1] =	sst s3  }
0xc: {  	[smem:$0x3FB2] =	sst s4  }
0xd: {  	[smem:$0x3FB3] =	sst s5  }
0xe: {  	[smem:$0x3FB4] =	sst s6  }
0xf: {  	[smem:$0x3FB5] =	sst s7  }
0x10: {  	[smem:$0x3FB6] =	sst s8  }
0x11: {  	[smem:$0x3FB7] =	sst s9;
	s0 =	simm.s32 @!p0 $0x0  }
0x12: {  	s1 =	sld [smem:$0x3F9D];
	s0 =	simm.s32 @p0 $0x1  }
0x13: {  	[smem:$0x3FB8] =	sst s0;
	s0 =	simm.s32 @!p1 $0x0  }
0x14: {  	s2 =	sld [smem:$0x3F9C];
	s0 =	simm.s32 @p1 $0x1  }
0x15: {  	[smem:$0x3FB9] =	sst s0;
	s0 =	simm.s32 @!p2 $0x0  }
0x16: {  	s3 =	sld [smem:$0x3FDB];
	s0 =	simm.s32 @p2 $0x1  }
0x17: {  	s4 =	simm.s32 $0x1BF5;
	[smem:$0x3FBB] =	sst s0  }
0x18: {  	s0 =	sld [smem:$0x3F9E];
	_ =	swait.ge [sflag:s4], $0x0  }
0x19: {  	s7 =	sld [smem:$0x3F9F]  }
0x1a: {  	s8 =	sadd.s32 $0xFFFFE003, lr  }
0x1b: {  	s9 =	sadd.s32 $0xFFFFFEF7, lr;
	s5 =	simm.s32 $0xFFFFFFFF;
	p2 =	slt.u32 s8, $0xFFFFF086  }
0x1c: {  	p1 =	slt.u32 s9, $0xF7A;
	s5 =	simm.s32 @!p2 $0x0  }
0x1d: {  	s5 =	simm.s32 @p1 $0x1;
	p0 =	seq.s32 s7, s2  }
0x1e: {  	s7 =	smul.u32 @!p0 $0xF7A, s2;
	p2 =	seq.s32 @!p0 s5, $0x0  }
0x1f: {  	s9 =	smul.u32 $0xF7A, s1;
	s8 =	simm.s32 @!p0 $0x1BF5;
	p2 =	por !p2, p0  }
0x20: {  	[sflag:s8] =	ssyncset.s32 @!p0 $0xFFFFF086;
	s6 =	sadd.s32 @!p0 s3, s7;
	s7 =	simm.s32 @!p0 $0x108  }
0x21: {  	s3 =	sadd.s32 s3, s9;
	s6 =	sadd.s32 @!p0 $0x88, s6;
	s7 =	simm.s32 @p2 $0x1082  }
0x22: {  	[simem:s7], [sflag:s8] =	dma.local @!p0 [hbm:s6], $0xF7A  }
0x23: {  	s9 =	sor.u32 $0xD0000000, s2;
	s6 =	simm.s32 $0x108;
	_ =	swait.ge @!p0 [sflag:s8], $0x0  }
0x24: {  	s3 =	sadd.s32 $0x88, s3;
	s6 =	simm.s32 @!p1 $0x1082;
	[sflag:s4] =	ssyncset.s32 $0xFFFFF086  }
0x25: {  	[simem:s6], [sflag:s4] =	dma.local [hbm:s3], $0xF7A  }
0x26: {  	[smem:$0x3F9F] =	sst s1;
	(tag) =	ssettag s2;
	_ =	strace s9  }
0x27: {  	s1 =	sld [smem:$0x3FAF]  }
0x28: {  	s2 =	sld [smem:$0x3FB0]  }
0x29: {  	s4 =	sld [smem:$0x3FB2]  }
0x2a: {  	p0 =	seq.s32 s5, $0x0;
	s5 =	sld [smem:$0x3FB3]  }
0x2b: {  	s6 =	sld [smem:$0x3FB4]  }
0x2c: {  	s7 =	sld [smem:$0x3FB5]  }
0x2d: {  	s3 =	simm.s32 $0x108;
	s8 =	sld [smem:$0x3FB6]  }
0x2e: {  	s3 =	simm.s32 @!p0 $0x1082;
	s9 =	sld [smem:$0x3FB7]  }
0x2f: {  	lr =	sadd.s32 s0, s3;
	s0 =	sld [smem:$0x3FAE]  }
0x30: {  	s3 =	sld [smem:$0x3FB1]  }
0x31: {  	[smem:$0x3FBA] =	sst s10  }
0x32: {  	s10 =	sld [smem:$0x3FB8];
	_ =	sdelay $0x3  }
0x33: {  	p0 =	seq.s32 s10, $0x1;
	s10 =	sld [smem:$0x3FBA];
	_ =	sdelay $0x3  }
0x34: {  	[smem:$0x3FBA] =	sst s10  }
0x35: {  	s10 =	sld [smem:$0x3FB9];
	_ =	sdelay $0x3  }
0x36: {  	p1 =	seq.s32 s10, $0x1;
	s10 =	sld [smem:$0x3FBA];
	_ =	sdelay $0x3  }
0x37: {  	[smem:$0x3FBA] =	sst s10  }
0x38: {  	s10 =	sld [smem:$0x3FBB]  }
0x39: {  	_ = 	snop;
	(pc) =	sbr.ind lr, $3  }
0x3a: {  	_ = 	snop  }
0x3b: {  	_ = 	snop  }
0x3c: {  	p2 =	seq.s32 s10, $0x1;
	s10 =	sld [smem:$0x3FBA]  }
0x3d: {  	_ =	shalt  }
0x3e: {  	_ =	shalt  }
0x3f: {  	_ =	shalt  }
0x40: {  	_ =	shalt  }
0x41: {  	_ =	shalt  }
0x42: {  	_ =	shalt  }
0x43: {  	_ =	shalt  }
0x44: {  	_ =	shalt  }
0x45: {  	_ =	shalt  }
0x46: {  	_ =	shalt  }
0x47: {  	_ =	shalt  }
0x48: {  	_ =	shalt  }
0x49: {  	_ =	shalt  }
0x4a: {  	_ =	shalt  }
0x4b: {  	_ =	shalt  }
0x4c: {  	_ =	shalt  }
0x4d: {  	_ =	shalt  }
0x4e: {  	_ =	shalt  }
0x4f: {  	_ =	shalt  }
0x50: {  	_ =	shalt  }
0x51: {  	_ =	shalt  }
0x52: {  	_ =	shalt  }
0x53: {  	_ =	shalt  }
0x54: {  	_ =	shalt  }
0x55: {  	_ =	shalt  }
0x56: {  	_ =	shalt  }
0x57: {  	_ =	shalt  }
0x58: {  	_ =	shalt  }
0x59: {  	_ =	shalt  }
0x5a: {  	_ =	shalt  }
0x5b: {  	_ =	shalt  }
0x5c: {  	_ =	shalt  }
0x5d: {  	_ =	shalt  }
0x5e: {  	_ =	shalt  }
0x5f: {  	_ =	shalt  }
0x60: {  	_ =	shalt  }
0x61: {  	_ =	shalt  }
0x62: {  	_ =	shalt  }
0x63: {  	_ =	shalt  }
0x64: {  	_ =	shalt  }
0x65: {  	_ =	shalt  }
0x66: {  	_ =	shalt  }
0x67: {  	_ =	shalt  }
0x68: {  	_ =	shalt  }
0x69: {  	_ =	shalt  }
0x6a: {  	_ =	shalt  }
0x6b: {  	_ =	shalt  }
0x6c: {  	_ =	shalt  }
0x6d: {  	_ =	shalt  }
0x6e: {  	_ =	shalt  }
0x6f: {  	_ =	shalt  }
0x70: {  	_ =	shalt  }
0x71: {  	_ =	shalt  }
0x72: {  	_ =	shalt  }
0x73: {  	_ =	shalt  }
0x74: {  	_ =	shalt  }
0x75: {  	_ =	shalt  }
0x76: {  	_ =	shalt  }
0x77: {  	_ =	shalt  }
0x78: {  	_ =	shalt  }
0x79: {  	_ =	shalt  }
0x7a: {  	_ =	shalt  }
0x7b: {  	_ =	shalt  }
0x7c: {  	_ =	shalt  }
0x7d: {  	_ =	shalt  }
0x7e: {  	_ =	shalt  }
0x7f: {  	_ =	shalt  }
0x80: {  	_ =	shalt  }
0x81: {  	_ =	shalt  }
0x82: {  	_ =	shalt  }
0x83: {  	_ =	shalt  }
0x84: {  	_ =	shalt  }
0x85: {  	_ =	shalt  }
0x86: {  	_ =	shalt  }
0x87: {  	_ =	shalt  }
.Lfunc_end0:
.L_simem_size_0:
called_computation.2_lowered:
.L_overlay_start_0:
0x88: {  	s2 =	sld [smem:$0x3FD9]  }
0x89: {  	s3 =	sld [smem:$0x3FFE];
	_ =	sdelay $0x1  }
0x8a: {  	s1 =	srdreg.scid  }
0x8b: {  	s0 =	sand.u32 $0x1, s1  }
0x8c: {  	s17 =	sshll.u32 s0, $0xA;
	s2 =	sadd.s32 s3, s2  }
0x8d: {  	s2 =	sadd.s32 s2, s17  }
0x8e: {  	[smem:$0x3FC6] =	sst s2  }
0x8f: {  	_ = 	snop  }
0x90: {  	s2 =	sld [smem:$0x3FD0];
	(tm) =	ssettm $0x1  }
0x91: {  	s18 =	sld [smem:$0x3FFB];
	_ =	sdelay $0x3  }
0x92: {  	_ =	strace s18  }
0x93: {  	s3 =	sld [smem:$0x3FFC];
	_ =	sdelay $0x3  }
0x94: {  	_ =	strace s3  }
0x95: {  	s3 =	sld [smem:$0x3FFD];
	_ =	sdelay $0x3  }
0x96: {  	_ =	strace s3  }
0x97: {  	_ =	strace $0x8FFFFFFF  }
0x98: {  	s19 =	sld [smem:$0x3FDB];
	_ =	sdelay $0x1  }
0x99: {  	s4 =	simm.s32 $_scs_section_size  }
0x9a: {  	s5 =	simm.s32 $_size__tile_overlayer_lowered;
	s6 =	simm.s32 $_tile_overlayer_lowered  }
0x9b: {  	s22 =	simm.s32 $0x1BFF;
	s21 =	sshll.u32 s6, $0x1;
	s3 =	sadd.s32 s4, s19  }
0x9c: {  	s7 =	simm.s32 $0x0;
	s20 =	sshll.u32 s5, $0x1;
	s5 =	sadd.s32 s21, s3  }
0x9d: {  	[timem:s7], [sflag:s22] =	dma.local [hbm:s5], s20  }
0x9e: {  	_ =	swait.ge [sflag:s22], s20  }
0x9f: {  	s4 =	ssub.s32 $0x0, s20;
	[sflag:s22] =	ssyncset.done $0x0  }
0xa0: {  	[sflag:s22] =	ssyncadd.s32 s4;
	_ =	sdelay $0x1  }
0xa1: {  	s23 =	simm.s32 $0x1B8B  }
0xa2: {  	_ =	swait.ge [sflag:s23], $0x1  }
0xa3: {  	[sflag:s23] =	ssyncset.done $0x0  }
0xa4: {  	s25 =	simm.s32 $0x1B8E;
	s24 =	sld [smem:$0x3FFE];
	[sflag:s23] =	ssyncadd.s32 $0xFFFFFFFF  }
0xa5: {  	s26 =	simm.s32 $execute0_lowered;
	[smem:$0x3FD2] =	sst s25  }
0xa6: {  	s5 =	sshll.u32 s26, $0x1;
	_ =	strace $0x80000049;
	[dreg:$0x1] =	wrdreg $0xFFFFFFFF  }
0xa7: {  	s28 =	simm.s32 $_size_execute0_lowered;
	s3 =	sadd.s32 s3, s5;
	[dreg:$0x0] =	wrdreg $0x0  }
0xa8: {  	s5 =	sshll.u32 s28, $0x1;
	[dreg:$0x2] =	wrdreg s3  }
0xa9: {  	[dreg:$0x3] =	wrdreg s5  }
0xaa: {  	[dreg:$0x4] =	wrdreg $0xC0  }
0xab: {  	_ =	task [dreg:s7], $0x5FFFF  }
0xac: {  	[dreg:$0x1] =	wrdreg $0xFFFFFFFF  }
0xad: {  	[dreg:$0x0] =	wrdreg $0x60  }
0xae: {  	[dreg:$0x2] =	wrdreg s2  }
0xaf: {  	[dreg:$0x3] =	wrdreg s24  }
0xb0: {  	[dreg:$0x4] =	wrdreg $0x9  }
0xb1: {  	_ =	task.clear_ibuf [dreg:s7], $0x5FFFF;
	_ =	strace $0x90000049  }
0xb2: {  	s29 =	simm.s32 $0x9;
	_ =	strace $0x8000004B  }
0xb3: {  	_ =	swait.ge [sflag:s29], $0x1  }
0xb4: {  	[sflag:s29] =	ssyncadd.s32 $0xFFFFFFFF  }
0xb5: {  	_ =	strace $0x9000004B  }
0xb6: {  	_ =	sfence  }
0xb7: {  	s30 =	sld [smem:$0x0];
	_ =	sdelay $0x2  }
0xb8: {  	s31 =	sshll.u32 s1, $0xD;
	s1 =	sshrl.u32 s1, $0x2  }
0xb9: {  	s3 =	sand.u32 $0x4000, s31;
	s1 =	sadd.s32 s1, s30  }
0xba: {  	s0 =	sor.u32 s3, s0;
	s1 =	sshll.u32 s1, $0x11  }
0xbb: {  	s0 =	sor.u32 s1, s0  }
0xbc: {  	s0 =	sadd.s32 $0x8F2B, s0  }
0xbd: {  	[sflag:s0] =	ssyncadd.remote.s32 $0x1  }
0xbe: {  	_ =	sfence.sel $0xFFFF  }
0xbf: {  	[dreg:$0x0] =	wrdreg $0xFFFFFFFF;
	(pc) =	sbr.abs _section_cstart, $3  }
0xc0: {  	[dreg:$0x1] =	wrdreg $0xFFFFFFFF  }
0xc1: {  	_ =	task.clear_ibuf [dreg:s7], $0x2FFFF;
	_ =	strace $0x9FFFFFFF  }
0xc2: {  	(tm) =	ssettm $0x7FFFFFFF  }
0xc3: {  	_ =	shalt  }
tec
execute0_lowered:
.L_overlay_start_1:
0x0: {  	(tag) =	ssettag $0x1  }
0x1: {  	s0 =	rddreg [dreg:$0x0]  }
0x2: {  	s1 =	rddreg [dreg:$0x1]  }
0x3: {  	s2 =	srdreg.scid;
	s11 =	stileid.u32;
	s12 =	simm.s32 $0x7  }
0x4: {  	s13 =	simm.s32 $0x80;
	s14 =	simm.s32 $0x6400;
	s15 =	simm.s32 $0x48  }
0x5: {  	s16 =	simm.s32 $0x8400;
	s18 =	simm.s32 $0x9600;
	s20 =	simm.s32 $0xB600  }
0x6: {  	s28 =	simm.s32 $0x2;
	s29 =	simm.s32 $0x4;
	s30 =	simm.s32 $0x3  }
0x7: {  	s31 =	simm.s32 $0x5;
	s6 =	sand.u32 $0x1, s2;
	s2 =	simm.s32 $0x0  }
0x8: {  	s3 =	sshll.u32 s11, $0x8;
	s24 =	smul.u32 $0xC8000, s11;
	s4 =	sshll.u32 s6, $0x7  }
0x9: {  	[smem:$0x7FF] =	sst s2;
	s25 =	smul.u32 $0x64000, s6;
	s4 =	sor.u32 s4, s3  }
0xa: {  	s5 =	ssub.s32 $0x2, s6;
	_ =	strace $0x8000004A;
	s7 =	smul.u32 $0x19, s4  }
0xb: {  	s3 =	sadd.s32 $0xF43200, s1;
	s8 =	sshrl.u32 s5, $0x1;
	s9 =	smul.u32 $0x6400, s4  }
0xc: {  	s1 =	sadd.s32 $0xE00, s1;
	s10 =	ssub.s32 s5, s8;
	s22 =	smul.u32 $0xC80, s4  }
0xd: {  	s10 =	smax.u32 s10, $0x1;
	s4 =	sadd.s32 s0, s7;
	s23 =	sshrl.u32 s9, $0x3  }
0xe: {  	s5 =	sadd.s32 s1, s22;
	s22 =	simm.s32 $0xC800;
	s0 =	sadd.s32 s1, s23  }
0xf: {  	s6 =	sadd.s32 $0xC80, s5;
	s1 =	sadd.s32 s24, s1;
	s24 =	simm.s32 $0xE800  }
0x10: {  	s23 =	simm.s32 $0x0;
	s7 =	sadd.s32 $0x61A80, s0;
	s8 =	sadd.s32 $0x62700, s0  }
0x11: {  	s9 =	sadd.s32 $0x63380, s0;
	s26 =	sadd.s32 s25, s1;
	s25 =	simm.s32 $0x1  }
0x12: {  	s0 =	simm.s32 $0x6;
	s11 =	sadd.s32 $0x1900, s26;
	s26 =	simm.s32 $0x40  }
.LBB2_1:
0x13: {  	[tilespmem:s2], [sflag:$0x7] =	stream.linear.gather [hbm4b:s4+s2], $0x6400, $0x38;
	[tilespmem:$0xFA00] =	vst v63  }
0x14: {  	_ =	swait.ge [sflag:s12], $0x6400  }
0x15: {  	[sflag:s12] =	ssyncset.done $0x0  }
0x16: {  	[sflag:s12] =	ssyncadd.s32 $0xFFFF9C00  }
0x17: {  	[tilespmem:s14], [sflag:$0x1] =	stream.indirect.gather [hbm4b:s3+s13], $0x40, s2, s13, $0xb8;
	[tilespmem:$0xFA00] =	vst v63  }
0x18: {  	_ = 	snop  }
0x19: {  	[tilespmem:s16], [sflag:$0x1] =	stream.indirect.gather [hbm4b:s3+s15], $0x40, s13, s15, $0xb8;
	[tilespmem:$0xFA00] =	vst v63  }
0x1a: {  	s1 =	simm.s32 $0xC8  }
0x1b: {  	[tilespmem:s18], [sflag:$0x2] =	stream.indirect.gather [hbm4b:s3+s13], $0x40, s1, s13, $0xb8;
	[tilespmem:$0xFA00] =	vst v63  }
0x1c: {  	s21 =	simm.s32 $0x148  }
0x1d: {  	[tilespmem:s20], [sflag:$0x2] =	stream.indirect.gather [hbm4b:s3+s15], $0x40, s21, s15, $0xb8;
	[tilespmem:$0xFA00] =	vst v63  }
0x1e: {  	s17 =	simm.s32 $0x190  }
0x1f: {  	[tilespmem:s22], [sflag:$0x3] =	stream.indirect.gather [hbm4b:s3+s13], $0x40, s17, s13, $0xb8;
	[tilespmem:$0xFA00] =	vst v63  }
0x20: {  	s19 =	simm.s32 $0x210  }
0x21: {  	[tilespmem:s24], [sflag:$0x3] =	stream.indirect.gather [hbm4b:s3+s15], $0x40, s19, s15, $0xb8;
	[tilespmem:$0xFA00] =	vst v63  }
0x22: {  	_ =	swait.ge [sflag:s25], $0x3200  }
0x23: {  	[sflag:s25] =	ssyncset.done $0x0  }
0x24: {  	[sflag:s25] =	ssyncadd.s32 $0xFFFFCE00  }
0x25: {  	[hbm4b:s5+s26] =	stream.strided.scatter [tilespmem:s14], [sflag:$0x4], $0x3200, s13, s26, $0x38;
	[tilespmem:$0xFA00] =	vst v63  }
0x26: {  	_ =	swait.ge [sflag:s28], $0x3200  }
0x27: {  	[sflag:s28] =	ssyncset.done $0x0  }
0x28: {  	[sflag:s28] =	ssyncadd.s32 $0xFFFFCE00  }
0x29: {  	[hbm4b:s6+s26] =	stream.strided.scatter [tilespmem:s18], [sflag:$0x5], $0x3200, s13, s26, $0x38;
	[tilespmem:$0xFA00] =	vst v63  }
0x2a: {  	_ =	swait.ge [sflag:s29], $0x3200  }
0x2b: {  	[sflag:s29] =	ssyncset.done $0x0  }
0x2c: {  	s21 =	simm.s32 $0x258;
	[sflag:s29] =	ssyncadd.s32 $0xFFFFCE00  }
0x2d: {  	[tilespmem:s14], [sflag:$0x1] =	stream.indirect.gather [hbm4b:s3+s13], $0x40, s21, s13, $0xb8;
	[tilespmem:$0xFA00] =	vst v63  }
0x2e: {  	s17 =	simm.s32 $0x2D8  }
0x2f: {  	[tilespmem:s16], [sflag:$0x1] =	stream.indirect.gather [hbm4b:s3+s15], $0x40, s17, s15, $0xb8;
	[tilespmem:$0xFA00] =	vst v63  }
0x30: {  	_ =	swait.ge [sflag:s30], $0x3200  }
0x31: {  	[sflag:s30] =	ssyncset.done $0x0  }
0x32: {  	[sflag:s30] =	ssyncadd.s32 $0xFFFFCE00  }
0x33: {  	[hbm4b:s11+s26] =	stream.strided.scatter [tilespmem:s22], [sflag:$0x6], $0x3200, s13, s26, $0x38;
	[tilespmem:$0xFA00] =	vst v63  }
0x34: {  	_ =	swait.ge [sflag:s31], $0x3200  }
0x35: {  	[sflag:s31] =	ssyncset.done $0x0  }
0x36: {  	s19 =	simm.s32 $0x320;
	[sflag:s31] =	ssyncadd.s32 $0xFFFFCE00  }
0x37: {  	[tilespmem:s18], [sflag:$0x2] =	stream.indirect.gather [hbm4b:s3+s13], $0x40, s19, s13, $0xb8;
	[tilespmem:$0xFA00] =	vst v63  }
0x38: {  	s21 =	simm.s32 $0x3A0  }
0x39: {  	[tilespmem:s20], [sflag:$0x2] =	stream.indirect.gather [hbm4b:s3+s15], $0x40, s21, s15, $0xb8;
	[tilespmem:$0xFA00] =	vst v63  }
0x3a: {  	_ =	swait.ge [sflag:s25], $0x3200  }
0x3b: {  	[sflag:s25] =	ssyncset.done $0x0  }
0x3c: {  	s17 =	sadd.s32 $0xC80, s11;
	[sflag:s25] =	ssyncadd.s32 $0xFFFFCE00  }
0x3d: {  	[hbm4b:s17+s26] =	stream.strided.scatter [tilespmem:s14], [sflag:$0x4], $0x3200, s13, s26, $0x38;
	[tilespmem:$0xFA00] =	vst v63  }
0x3e: {  	_ =	swait.ge [sflag:s0], $0x3200  }
0x3f: {  	[sflag:s0] =	ssyncset.done $0x0  }
0x40: {  	s19 =	simm.s32 $0x3E8;
	[sflag:s0] =	ssyncadd.s32 $0xFFFFCE00  }
0x41: {  	[tilespmem:s22], [sflag:$0x3] =	stream.indirect.gather [hbm4b:s3+s13], $0x40, s19, s13, $0xb8;
	[tilespmem:$0xFA00] =	vst v63  }
0x42: {  	s21 =	simm.s32 $0x468  }
0x43: {  	[tilespmem:s24], [sflag:$0x3] =	stream.indirect.gather [hbm4b:s3+s15], $0x40, s21, s15, $0xb8;
	[tilespmem:$0xFA00] =	vst v63  }
0x44: {  	_ =	swait.ge [sflag:s28], $0x3200  }
0x45: {  	s1 =	simm.s32 $0x960;
	[sflag:s28] =	ssyncset.done $0x0  }
0x46: {  	s17 =	sadd.s32 $0x2580, s11;
	s19 =	sadd.s32 $0x1900, s11;
	[sflag:s28] =	ssyncadd.s32 $0xFFFFCE00  }
.LBB2_2:
0x47: {  	[hbm4b:s19+s26] =	stream.strided.scatter [tilespmem:s18], [sflag:$0x5], $0x3200, s13, s26, $0x38;
	[tilespmem:$0xFA00] =	vst v63  }
0x48: {  	s19 =	smov.u32 s1  }
0x49: {  	p0 =	sne.s32 s1, $0x17700;
	s1 =	sadd.s32 $0x960, s1;
	_ =	swait.ge [sflag:s29], $0x3200  }
0x4a: {  	s19 =	sshra.s32 s19, $0x2;
	[sflag:s29] =	ssyncset.done $0x0  }
0x4b: {  	s21 =	sadd.s32 $0x258, s19;
	[sflag:s29] =	ssyncadd.s32 $0xFFFFCE00  }
0x4c: {  	[tilespmem:s14], [sflag:$0x1] =	stream.indirect.gather [hbm4b:s3+s13], $0x40, s21, s13, $0xb8;
	[tilespmem:$0xFA00] =	vst v63  }
0x4d: {  	s21 =	sadd.s32 $0x2D8, s19  }
0x4e: {  	[tilespmem:s16], [sflag:$0x1] =	stream.indirect.gather [hbm4b:s3+s15], $0x40, s21, s15, $0xb8;
	[tilespmem:$0xFA00] =	vst v63  }
0x4f: {  	_ =	swait.ge [sflag:s30], $0x3200  }
0x50: {  	[sflag:s30] =	ssyncset.done $0x0  }
0x51: {  	[sflag:s30] =	ssyncadd.s32 $0xFFFFCE00  }
0x52: {  	[hbm4b:s17+s26] =	stream.strided.scatter [tilespmem:s22], [sflag:$0x6], $0x3200, s13, s26, $0x38;
	[tilespmem:$0xFA00] =	vst v63  }
0x53: {  	_ =	swait.ge [sflag:s31], $0x3200  }
0x54: {  	[sflag:s31] =	ssyncset.done $0x0  }
0x55: {  	s21 =	sadd.s32 $0x320, s19;
	[sflag:s31] =	ssyncadd.s32 $0xFFFFCE00  }
0x56: {  	[tilespmem:s18], [sflag:$0x2] =	stream.indirect.gather [hbm4b:s3+s13], $0x40, s21, s13, $0xb8;
	[tilespmem:$0xFA00] =	vst v63  }
0x57: {  	s21 =	sadd.s32 $0x3A0, s19  }
0x58: {  	[tilespmem:s20], [sflag:$0x2] =	stream.indirect.gather [hbm4b:s3+s15], $0x40, s21, s15, $0xb8;
	[tilespmem:$0xFA00] =	vst v63  }
0x59: {  	_ =	swait.ge [sflag:s25], $0x3200  }
0x5a: {  	[sflag:s25] =	ssyncset.done $0x0  }
0x5b: {  	s21 =	sadd.s32 $0xC80, s17;
	[sflag:s25] =	ssyncadd.s32 $0xFFFFCE00  }
0x5c: {  	[hbm4b:s21+s26] =	stream.strided.scatter [tilespmem:s14], [sflag:$0x4], $0x3200, s13, s26, $0x38;
	[tilespmem:$0xFA00] =	vst v63  }
0x5d: {  	_ =	swait.ge [sflag:s0], $0x3200  }
0x5e: {  	[sflag:s0] =	ssyncset.done $0x0  }
0x5f: {  	s21 =	sadd.s32 $0x3E8, s19;
	[sflag:s0] =	ssyncadd.s32 $0xFFFFCE00  }
0x60: {  	[tilespmem:s22], [sflag:$0x3] =	stream.indirect.gather [hbm4b:s3+s13], $0x40, s21, s13, $0xb8;
	[tilespmem:$0xFA00] =	vst v63  }
.Ltmp0:
0x61: {  	s19 =	sadd.s32 $0x468, s19;
	(pc) =	sbr.rel @p0 .LBB2_2-.Ltmp0, $4  }
0x62: {  	[tilespmem:s24], [sflag:$0x3] =	stream.indirect.gather [hbm4b:s3+s15], $0x40, s19, s15, $0xb8;
	[tilespmem:$0xFA00] =	vst v63  }
0x63: {  	_ =	swait.ge [sflag:s28], $0x3200  }
0x64: {  	[sflag:s28] =	ssyncset.done $0x0  }
0x65: {  	s19 =	sadd.s32 $0x1900, s17;
	s17 =	sadd.s32 $0x2580, s17;
	[sflag:s28] =	ssyncadd.s32 $0xFFFFCE00  }
0x66: {  	[hbm4b:s19+s26] =	stream.strided.scatter [tilespmem:s18], [sflag:$0x5], $0x3200, s13, s26, $0x38;
	[tilespmem:$0xFA00] =	vst v63  }
0x67: {  	_ =	swait.ge [sflag:s29], $0x3200  }
0x68: {  	[sflag:s29] =	ssyncset.done $0x0  }
0x69: {  	s1 =	simm.s32 $0x6270;
	[sflag:s29] =	ssyncadd.s32 $0xFFFFCE00  }
0x6a: {  	[tilespmem:s14], [sflag:$0x1] =	stream.indirect.gather [hbm4b:s3+s13], $0x40, s1, s13, $0xb8;
	[tilespmem:$0xFA00] =	vst v63  }
0x6b: {  	s17 =	simm.s32 $0x62F0  }
0x6c: {  	[tilespmem:s16], [sflag:$0x1] =	stream.indirect.gather [hbm4b:s3+s15], $0x40, s17, s15, $0xb8;
	[tilespmem:$0xFA00] =	vst v63  }
0x6d: {  	_ =	swait.ge [sflag:s30], $0x3200  }
0x6e: {  	[sflag:s30] =	ssyncset.done $0x0  }
0x6f: {  	[sflag:s30] =	ssyncadd.s32 $0xFFFFCE00  }
0x70: {  	[hbm4b:s7+s26] =	stream.strided.scatter [tilespmem:s22], [sflag:$0x6], $0x3200, s13, s26, $0x38;
	[tilespmem:$0xFA00] =	vst v63  }
0x71: {  	_ =	swait.ge [sflag:s31], $0x3200  }
0x72: {  	[sflag:s31] =	ssyncset.done $0x0  }
0x73: {  	s19 =	simm.s32 $0x6338;
	[sflag:s31] =	ssyncadd.s32 $0xFFFFCE00  }
0x74: {  	[tilespmem:s18], [sflag:$0x2] =	stream.indirect.gather [hbm4b:s3+s13], $0x40, s19, s13, $0xb8;
	[tilespmem:$0xFA00] =	vst v63  }
0x75: {  	s21 =	simm.s32 $0x63B8  }
0x76: {  	[tilespmem:s20], [sflag:$0x2] =	stream.indirect.gather [hbm4b:s3+s15], $0x40, s21, s15, $0xb8;
	[tilespmem:$0xFA00] =	vst v63  }
0x77: {  	_ =	swait.ge [sflag:s25], $0x3200  }
0x78: {  	[sflag:s25] =	ssyncset.done $0x0  }
0x79: {  	[sflag:s25] =	ssyncadd.s32 $0xFFFFCE00  }
0x7a: {  	[hbm4b:s8+s26] =	stream.strided.scatter [tilespmem:s14], [sflag:$0x4], $0x3200, s13, s26, $0x38;
	[tilespmem:$0xFA00] =	vst v63  }
0x7b: {  	_ =	swait.ge [sflag:s28], $0x3200  }
0x7c: {  	[sflag:s28] =	ssyncset.done $0x0  }
0x7d: {  	[sflag:s28] =	ssyncadd.s32 $0xFFFFCE00  }
0x7e: {  	[hbm4b:s9+s26] =	stream.strided.scatter [tilespmem:s18], [sflag:$0x5], $0x3200, s13, s26, $0x38;
	[tilespmem:$0xFA00] =	vst v63  }
0x7f: {  	_ =	swait.ge [sflag:s29], $0x3200  }
0x80: {  	[sflag:s29] =	ssyncset.done $0x0  }
0x81: {  	s23 =	sadd.s32 $0x1, s23;
	[sflag:s29] =	ssyncadd.s32 $0xFFFFCE00  }
0x82: {  	p0 =	sne.s32 s23, s10;
	_ =	swait.ge [sflag:s31], $0x3200  }
.Ltmp1:
0x83: {  	[sflag:s31] =	ssyncset.done $0x0;
	(pc) =	sbr.rel @p0 .LBB2_1-.Ltmp1, $4  }
0x84: {  	[sflag:s31] =	ssyncadd.s32 $0xFFFFCE00  }
0x85: {  	_ =	swait.ge [sflag:s0], $0x3200  }
0x86: {  	[sflag:s0] =	ssyncset.done $0x0  }
0x87: {  	[sflag:s0] =	ssyncadd.s32 $0xFFFFCE00  }
0x88: {  	_ =	sfence.sel $0x180000  }
0x89: {  	[bflag:$0x0] =	sbarrier.arrive $0xFFFF  }
0x8a: {  	_ =	strace $0x9000004A  }
0x8b: {  	s0 =	stileid.u32;
	[bflag:$0x2] =	sbarrier.arrive $0xFFFF  }
0x8c: {  	p0 =	sne.s32 s0, $0x0;
	s0 =	rddreg [dreg:$0x2]  }
0x8d: {  	s0 =	sadd.s32 @!p0 $0x100000, s0  }
0x8e: {  	[sflag:s0] =	ssyncadd.tile.s32 @!p0 $0x1;
	_ =	shalt  }
.Lfunc_end2:
_tile_overlayer_lowered:
.L_overlay_start_2:
0x8f: {  	(tag) =	ssettag $0x2  }
0x90: {  	s0 =	rddreg [dreg:$0x0];
	s2 =	stileid.u32  }
0x91: {  	s1 =	rddreg [dreg:$0x1];
	p0 =	sne.s32 s2, $0x0  }
0x92: {  	s3 =	rddreg [dreg:$0x2];
	[bflag:$0x3] =	sbarrier.arrive $0xFFFF;
	s2 =	simm.s32 @!p0 $0x1C07  }
0x93: {  	[timem:s3], [sflag:s2] =	dma.local @!p0 [hbm:s0], s1  }
0x94: {  	s0 =	simm.s32 @!p0 $0x7  }
0x95: {  	_ =	swait.ge @!p0 [sflag:s0], s1  }
0x96: {  	s1 =	ssub.s32 @!p0 $0x0, s1;
	[sflag:s0] =	ssyncset.done @!p0 $0x0  }
0x97: {  	[sflag:s0] =	ssyncadd.s32 @!p0 s1  }
0x98: {  	[bflag:$0x3] =	sbarrier.arrive $0xFFFF  }
0x99: {  	_ =	shalt  }

// kernel: sparse-core-data-format-call.1.cloned.1.call-start
scs
called_computation.1_lowered:
.L_overlay_start_0:
0x0: {  	s2 =	sld [smem:$0x3FD9]  }
0x1: {  	s3 =	sld [smem:$0x3FFE];
	_ =	sdelay $0x1  }
0x2: {  	s1 =	srdreg.scid  }
0x3: {  	s0 =	sand.u32 $0x1, s1  }
0x4: {  	s18 =	sshll.u32 s0, $0xA;
	s2 =	sadd.s32 s3, s2  }
0x5: {  	s2 =	sadd.s32 s2, s18  }
0x6: {  	[smem:$0x3FC6] =	sst s2  }
0x7: {  	_ = 	snop  }
0x8: {  	s2 =	sld [smem:$0x3FC8];
	(tm) =	ssettm $0x1  }
0x9: {  	s19 =	sld [smem:$0x3FFB];
	_ =	sdelay $0x3  }
0xa: {  	_ =	strace s19  }
0xb: {  	s3 =	sld [smem:$0x3FFC];
	_ =	sdelay $0x3  }
0xc: {  	_ =	strace s3  }
0xd: {  	s3 =	sld [smem:$0x3FFD];
	_ =	sdelay $0x3  }
0xe: {  	_ =	strace s3  }
0xf: {  	_ =	strace $0x8FFFFFFF  }
0x10: {  	s20 =	sld [smem:$0x3FDB];
	_ =	sdelay $0x1  }
0x11: {  	s4 =	simm.s32 $_scs_section_size  }
0x12: {  	s5 =	simm.s32 $_size__tile_overlayer_lowered;
	s6 =	simm.s32 $_tile_overlayer_lowered  }
0x13: {  	s23 =	simm.s32 $0x1BFF;
	s22 =	sshll.u32 s6, $0x1;
	s3 =	sadd.s32 s4, s20  }
0x14: {  	s7 =	simm.s32 $0x0;
	s21 =	sshll.u32 s5, $0x1;
	s5 =	sadd.s32 s22, s3  }
0x15: {  	[timem:s7], [sflag:s23] =	dma.local [hbm:s5], s21  }
0x16: {  	_ =	swait.ge [sflag:s23], s21  }
0x17: {  	s4 =	ssub.s32 $0x0, s21;
	[sflag:s23] =	ssyncset.done $0x0  }
0x18: {  	[sflag:s23] =	ssyncadd.s32 s4;
	_ =	sdelay $0x1  }
0x19: {  	s24 =	simm.s32 $0x1B8B  }
0x1a: {  	_ =	swait.ge [sflag:s24], $0x1  }
0x1b: {  	[sflag:s24] =	ssyncset.done $0x0  }
0x1c: {  	s26 =	simm.s32 $0x1B8E;
	s25 =	sld [smem:$0x3FFE];
	[sflag:s24] =	ssyncadd.s32 $0xFFFFFFFF  }
0x1d: {  	s27 =	simm.s32 $execute0_lowered;
	[smem:$0x3FD2] =	sst s26  }
0x1e: {  	s5 =	sshll.u32 s27, $0x1;
	_ =	strace $0x80000046;
	[dreg:$0x1] =	wrdreg $0xFFFFFFFF  }
0x1f: {  	s28 =	simm.s32 $_size_execute0_lowered;
	s3 =	sadd.s32 s3, s5;
	[dreg:$0x0] =	wrdreg $0x0  }
0x20: {  	s5 =	sshll.u32 s28, $0x1;
	[dreg:$0x2] =	wrdreg s3  }
0x21: {  	[dreg:$0x3] =	wrdreg s5  }
0x22: {  	[dreg:$0x4] =	wrdreg $0xC0  }
0x23: {  	_ =	task [dreg:s7], $0x5FFFF  }
0x24: {  	[dreg:$0x1] =	wrdreg $0xFFFFFFFF  }
0x25: {  	[dreg:$0x0] =	wrdreg $0x60  }
0x26: {  	[dreg:$0x2] =	wrdreg s2  }
0x27: {  	[dreg:$0x3] =	wrdreg s25  }
0x28: {  	[dreg:$0x4] =	wrdreg $0x9  }
0x29: {  	_ =	task.clear_ibuf [dreg:s7], $0x5FFFF;
	_ =	strace $0x90000046  }
0x2a: {  	s29 =	simm.s32 $0x9;
	_ =	strace $0x80000048  }
0x2b: {  	_ =	swait.ge [sflag:s29], $0x1  }
0x2c: {  	[sflag:s29] =	ssyncadd.s32 $0xFFFFFFFF  }
0x2d: {  	_ =	strace $0x90000048  }
0x2e: {  	_ =	sfence  }
0x2f: {  	s30 =	sld [smem:$0x0];
	_ =	sdelay $0x2  }
0x30: {  	s31 =	sshll.u32 s1, $0xD;
	s1 =	sshrl.u32 s1, $0x2  }
0x31: {  	s3 =	sand.u32 $0x4000, s31;
	s1 =	sadd.s32 s1, s30  }
0x32: {  	s0 =	sor.u32 s3, s0;
	s1 =	sshll.u32 s1, $0x11  }
0x33: {  	s0 =	sor.u32 s1, s0  }
0x34: {  	s0 =	sadd.s32 $0x8F2B, s0  }
0x35: {  	[sflag:s0] =	ssyncadd.remote.s32 $0x1  }
0x36: {  	_ =	sfence.sel $0xFFFF  }
0x37: {  	[dreg:$0x0] =	wrdreg $0xFFFFFFFF;
	(pc) =	sbr.abs _section_cstart, $3  }
0x38: {  	[dreg:$0x1] =	wrdreg $0xFFFFFFFF  }
0x39: {  	_ =	task.clear_ibuf [dreg:s7], $0x2FFFF;
	_ =	strace $0x9FFFFFFF  }
0x3a: {  	(tm) =	ssettm $0x7FFFFFFF  }
0x3b: {  	_ =	shalt  }
tec
execute0_lowered:
.L_overlay_start_1:
0x0: {  	(tag) =	ssettag $0x1  }
0x1: {  	s0 =	srdreg.scid;
	s2 =	rddreg [dreg:$0x0]  }
0x2: {  	s5 =	rddreg [dreg:$0x1];
	s1 =	stileid.u32  }
0x3: {  	s4 =	simm.s32 $0x1;
	s6 =	simm.s32 $0x2;
	s15 =	simm.s32 $0x0  }
0x4: {  	p0 =	por $0x0, $0x0;
	s8 =	simm.s32 $0x80;
	s0 =	sshll.u32 s0, $0x4  }
0x5: {  	s14 =	simm.s32 $0x0;
	s9 =	simm.s32 $0x0;
	s3 =	sand.u32 $0x10, s0  }
.Ltmp0:
0x6: {  	s10 =	simm.s32 $0x0;
	s3 =	sor.u32 s1, s3;
	(pc) =	sbr.rel .LBB1_1-.Ltmp0, $4  }
0x7: {  	s0 =	rddreg [dreg:$0x2];
	_ =	strace $0x80000047;
	s3 =	sshll.u32 s3, $0x7  }
0x8: {  	s12 =	simm.s32 $0x0;
	[sflag:s4] =	ssyncpa.u1 $0x0;
	s7 =	ssub.s32 $0xF4200, s3  }
0x9: {  	s13 =	simm.s32 $0x0;
	[sflag:s6] =	ssyncpa.u1 $0x0;
	s6 =	sshrl.u32 s7, $0xC  }
0xa: {  	s5 =	sadd.s32 $0xE00, s5;
	s11 =	smov.u32 s3;
	s7 =	sadd.s32 $0x2, s6  }
.LBB1_5:
0xb: {  	p1 =	slt.u32 s13, $0x2  }
0xc: {  	s17 =	smov.u32 s15;
	p2 =	sgt.s32 @!p1 s15, $0xF41C0;
	s16 =	sshra.s32 @!p1 s15, $0x1F  }
0xd: {  	p3 =	sgt.s32 @!p1 s14, $0x40;
	s18 =	sshra.s32 @!p1 s14, $0x1F;
	p2 =	por !p2, p1  }
0xe: {  	s15 =	sand.u32 @!p1 s16, s15;
	p3 =	por !p3, p1;
	s16 =	smov.u32 s14  }
0xf: {  	s14 =	sand.u32 @!p1 s18, s14;
	s17 =	simm.s32 @p2 $0xF41C0;
	s16 =	simm.s32 @p3 $0x40  }
0x10: {  	s15 =	ssub.s32 @!p1 s17, s15;
	s14 =	ssub.s32 @!p1 s16, s14  }
0x11: {  	s18 =	smov.u32 s12;
	s16 =	sadd.s32 @!p1 $0xFFF0BE40, s15;
	s17 =	sadd.s32 @!p1 $0xFFFFFFC0, s14  }
0x12: {  	s15 =	ssub.s32 @!p1 $0xF4240, s15;
	p2 =	sgt.s32 @!p1 s16, $0x7F;
	p3 =	sgt.s32 @!p1 s17, $0x3F  }
0x13: {  	s14 =	ssub.s32 @!p1 $0x80, s14;
	p2 =	por !p2, p1;
	p3 =	por !p3, p1  }
0x14: {  	s16 =	sadd.s32 $0x1000, s11;
	s15 =	simm.s32 @!p2 $0x0;
	s14 =	simm.s32 @!p3 $0x0  }
0x15: {  	p2 =	sgt.s32 s16, $0xF423F;
	s14 =	smul.u32 @!p1 s14, s15;
	s15 =	sadd.s32 $0x40, s12  }
0x16: {  	s18 =	smov.u32 @p2 s15  }
0x17: {  	s16 =	smov.u32 @p2 s3;
	p2 =	sgt.s32 s18, $0x3F  }
0x18: {  	s18 =	simm.s32 @p2 $0x0;
	p2 =	sne.s32 s13, s7  }
.Ltmp1:
0x19: {  	p0 =	por !p0, !p0;
	s17 =	simm.s32 @!p1 $0x2;
	(pc) =	sbr.rel @!p2 .LBB1_6-.Ltmp1, $4  }
0x1a: {  	s15 =	smov.u32 s9;
	s9 =	smov.u32 s11;
	s14 =	sand.u32 @!p1 $0x3FFFFFFF, s14  }
0x1b: {  	s11 =	smov.u32 s16;
	_ =	swait.ge @!p1 [sflag:s17], s14;
	s19 =	ssub.s32 @!p1 $0x0, s14  }
0x1c: {  	s14 =	smov.u32 s10;
	s13 =	sadd.s32 $0x1, s13;
	[sflag:s17] =	ssyncset.done @!p1 $0x0  }
0x1d: {  	s10 =	smov.u32 s12;
	s12 =	smov.u32 s18;
	[sflag:s17] =	ssyncadd.s32 @!p1 s19  }
.LBB1_1:
0x1e: {  	p1 =	sgt.u32 s13, s6  }
0x1f: {  	s16 =	sshrl.u32 @!p1 s12, $0x3  }
0x20: {  	s17 =	sshll.u32 @!p1 s11, $0x3;
	s16 =	smul.u32 @!p1 $0x7A1400, s16  }
0x21: {  	s18 =	sshll.u32 @!p1 s12, $0x7;
	s17 =	sand.u32 @!p1 $0xFFFFFC00, s17  }
0x22: {  	s16 =	sadd.s32 @!p1 s16, s17;
	s17 =	sand.u32 @!p1 $0x380, s18  }
0x23: {  	s18 =	sand.u32 @!p1 $0x7F, s11;
	s16 =	sor.u32 @!p1 s17, s16  }
0x24: {  	s17 =	sor.u32 @!p1 s18, s16  }
0x25: {  	s18 =	smulhi.u32 @!p1 $0x218D6287, s17;
	_ =	sdelay $0x1  }
0x26: {  	s16 =	smulhi.u32 @!p1 $0x218D6287, s16;
	s18 =	sshrl.u32 @!p1 s18, $0x11  }
0x27: {  	s18 =	smul.u32 @!p1 $0xF4280, s18  }
0x28: {  	s19 =	sxor.u32 @!p1 $0xFFFFFFFF, s13;
	s16 =	sshrl.u32 @!p1 s16, $0x11  }
0x29: {  	s19 =	sshll.u32 @!p1 s19, $0xD;
	s16 =	sand.u32 @!p1 $0x3F, s16;
	s17 =	ssub.s32 @!p1 s17, s18  }
0x2a: {  	s16 =	smul.u32 @!p1 $0x1E850, s16;
	s18 =	sshrl.u32 @!p1 s17, $0x3;
	s17 =	sand.u32 @!p1 $0x7, s17  }
0x2b: {  	s19 =	sand.u32 @!p1 $0x2000, s19;
	s18 =	sadd.s32 @!p1 s2, s18;
	s17 =	sshll.u32 @!p1 s17, $0x12  }
0x2c: {  	s16 =	sadd.s32 @!p1 s16, s18;
	s17 =	sor.u32 @!p1 $0x400, s17;
	s18 =	simm.s32 @!p1 $0x7A1400  }
0x2d: {  	[tilespmem:s19], [sflag:$0x1] =	stream.strided.gather @!p1 [hbm4b:s16+s17], $0x2000, s18, s17, $0x38;
	[tilespmem:$0x8100] =	vst v63  }
0x2e: {  	p1 =	seq.s32 s13, $0x0  }
0x2f: {  	p2 =	sge.u32 @!p1 s13, s7  }
0x30: {  	p1 =	por p1, p2  }
.Ltmp2:
0x31: {  	_ = 	snop;
	(pc) =	sbr.rel @p1 .LBB1_5-.Ltmp2, $1  }
0x32: {  	_ =	sdelay $0x3  }
0x33: {  	s16 =	simm.s32 $0x1  }
0x34: {  	_ =	swait.ge [sflag:s4], $0x2000;
	s16 =	simm.s32 @!p0 $0x0  }
0x35: {  	[sflag:s4] =	ssyncset.done $0x0;
	s17 =	sshll.u32 s16, $0xD  }
0x36: {  	[sflag:s4] =	ssyncadd.s32 $0xFFFFE000;
	s17 =	sor.u32 $0x40, s17  }
0x37: {  	s16 =	smul.u32 $0x8200, s16;
	v0 =	vld [tilespmem:s17+$0x30]  }
0x38: {  	v1 =	vld [tilespmem:s17+$0xFFFFFFD0]  }
0x39: {  	s16 =	sshrl.u32 s16, $0x2;
	v5 =	vld [tilespmem:s17+$0xFFFFFFE0]  }
0x3a: {  	v6 =	vld [tilespmem:s17+$0xFFFFFFF0];
	s19 =	sor.u32 $0x4000, s16  }
0x3b: {  	s31 =	sand.u32 $0x1, s13;
	v4 =	vld [tilespmem:s17+$0x0];
	s18 =	sadd.s32 $0x0, s19  }
0x3c: {  	v3 =	vld [tilespmem:s17+$0x10];
	s16 =	smul.u32 $0x8200, s31;
	[tilespmem:s18+$0x1C70 ss:$0x41] =	vst.msk $0xffff, v0  }
0x3d: {  	v2 =	vld [tilespmem:s17+$0x20];
	[tilespmem:s18+$0x410 ss:$0x41] =	vst.msk $0xffff, v1  }
0x3e: {  	s16 =	sshrl.u32 s16, $0x2;
	v1 =	vld [tilespmem:s17+$0xFFFFFFC0];
	[tilespmem:s18+$0x820 ss:$0x41] =	vst.msk $0xffff, v5;
	s17 =	sadd.s32 $0x80, s17  }
0x3f: {  	s20 =	simm.s32 $0x4;
	s21 =	simm.s32 $0x8;
	s16 =	sor.u32 $0x4000, s16;
	[tilespmem:s18+$0xC30 ss:$0x41] =	vst.msk $0xffff, v6;
	v0 =	vld [tilespmem:s17+$0x30]  }
.LBB1_3:
0x40: {  	p1 =	sne.s32 s21, $0xFC;
	v5 =	vld [tilespmem:s17+$0xFFFFFFD0];
	[tilespmem:s18+$0x1040 ss:$0x41] =	vst.msk $0xffff, v4  }
0x41: {  	v6 =	vld [tilespmem:s17+$0xFFFFFFE0];
	[tilespmem:s18+$0x1450 ss:$0x41] =	vst.msk $0xffff, v3  }
0x42: {  	s22 =	sshra.s32 s20, $0x2;
	s20 =	smov.u32 s21;
	v7 =	vld [tilespmem:s17+$0xFFFFFFF0];
	[tilespmem:s18+$0x1860 ss:$0x41] =	vst.msk $0xffff, v2  }
.Ltmp3:
0x43: {  	v4 =	vld [tilespmem:s17+$0x0];
	[tilespmem:s18+$0x0 ss:$0x41] =	vst.msk $0xffff, v1;
	s18 =	sadd.s32 s22, s19;
	(pc) =	sbr.rel @p1 .LBB1_3-.Ltmp3, $4  }
0x44: {  	v3 =	vld [tilespmem:s17+$0x10];
	[tilespmem:s18+$0x1C70 ss:$0x41] =	vst.msk $0xffff, v0  }
0x45: {  	[tilespmem:s18+$0x410 ss:$0x41] =	vst.msk $0xffff, v5;
	v2 =	vld [tilespmem:s17+$0x20]  }
0x46: {  	v1 =	vld [tilespmem:s17+$0xFFFFFFC0];
	[tilespmem:s18+$0x820 ss:$0x41] =	vst.msk $0xffff, v6;
	s17 =	sadd.s32 $0x80, s17  }
0x47: {  	s21 =	sadd.s32 $0x4, s21;
	v0 =	vld [tilespmem:s17+$0x30];
	[tilespmem:s18+$0xC30 ss:$0x41] =	vst.msk $0xffff, v7  }
0x48: {  	s21 =	sshll.u32 s9, $0x7;
	s22 =	sshll.u32 s10, $0x3;
	s20 =	sshra.s32 s20, $0x2  }
0x49: {  	p1 =	sgt.s32 s9, $0xF41C0;
	s30 =	sshra.s32 s9, $0x1F;
	s25 =	sshra.s32 s10, $0x1F  }
0x4a: {  	v5 =	vld [tilespmem:s17+$0xFFFFFFD0];
	s28 =	sshrl.u32 s10, $0x3;
	s23 =	sand.u32 $0xFFFFFC00, s21;
	s22 =	sand.u32 $0xFFFFFC00, s22  }
0x4b: {  	[tilespmem:s18+$0x1040 ss:$0x41] =	vst.msk $0xffff, v4;
	v58 =	vld [tilespmem:s17+$0xFFFFFFE0];
	s21 =	sand.u32 $0x380, s21;
	s19 =	sadd.s32 s20, s19;
	s22 =	sadd.s32 s22, s23  }
0x4c: {  	v59 =	vld [tilespmem:s17+$0xFFFFFFF0];
	[tilespmem:s18+$0x1450 ss:$0x41] =	vst.msk $0xffff, v3;
	s29 =	sor.u32 s21, s22;
	s21 =	smov.u32 s9;
	s22 =	sand.u32 s30, s9  }
0x4d: {  	v60 =	vld [tilespmem:s17+$0x0];
	[tilespmem:s18+$0x1860 ss:$0x41] =	vst.msk $0xffff, v2;
	s30 =	sand.u32 $0x7, s10;
	s20 =	sshrl.u32 s29, $0x7;
	s21 =	simm.s32 @!p1 $0xF41C0  }
0x4e: {  	v61 =	vld [tilespmem:s17+$0x10];
	[tilespmem:s18+$0x0 ss:$0x41] =	vst.msk $0xffff, v1;
	p1 =	sgt.s32 s10, $0x40;
	s24 =	ssub.s32 s21, s22;
	s21 =	smov.u32 s10  }
0x4f: {  	v62 =	vld [tilespmem:s17+$0x20];
	[tilespmem:s19+$0x1C70 ss:$0x41] =	vst.msk $0xffff, v0;
	s31 =	smulhi.u32 $0x218DEF5, s20;
	s22 =	sand.u32 s25, s10;
	s21 =	simm.s32 @!p1 $0x40  }
0x50: {  	v63 =	vld [tilespmem:s17+$0xFFFFFFC0];
	[tilespmem:s19+$0x410 ss:$0x41] =	vst.msk $0xffff, v5;
	s26 =	sadd.s32 $0xFFF0BE40, s24;
	s17 =	ssub.s32 $0xF4240, s24;
	s21 =	ssub.s32 s21, s22  }
0x51: {  	[tilespmem:s19+$0x820 ss:$0x41] =	vst.msk $0xffff, v58;
	s23 =	sshrl.u32 s31, $0xD;
	p1 =	sgt.s32 s26, $0x7F;
	s27 =	sadd.s32 $0xFFFFFFC0, s21  }
0x52: {  	[tilespmem:s19+$0xC30 ss:$0x41] =	vst.msk $0xffff, v59;
	s23 =	smul.u32 $0xF4240, s23;
	s18 =	ssub.s32 $0x80, s21;
	p2 =	sgt.s32 s27, $0x3F  }
.Ltmp4:
0x53: {  	[tilespmem:s19+$0x1040 ss:$0x41] =	vst.msk $0xffff, v60;
	s17 =	simm.s32 @p1 $0x0;
	s18 =	simm.s32 @p2 $0x0;
	(pc) =	sbr.rel .LBB1_5-.Ltmp4, $4  }
0x54: {  	s29 =	sand.u32 $0xF, s28;
	[tilespmem:s19+$0x1450 ss:$0x41] =	vst.msk $0xffff, v61;
	s20 =	ssub.s32 s20, s23;
	s17 =	smul.u32 s18, s17  }
0x55: {  	[tilespmem:s19+$0x1860 ss:$0x41] =	vst.msk $0xffff, v62;
	s21 =	sshll.u32 s30, $0x12;
	s20 =	sshll.u32 s20, $0x4;
	s18 =	sadd.s32 s5, s29  }
0x56: {  	[tilespmem:s19+$0x0 ss:$0x41] =	vst.msk $0xffff, v63;
	s31 =	sor.u32 $0x40, s21;
	s18 =	sadd.s32 s20, s18;
	s17 =	sand.u32 $0x3FFFFFFF, s17  }
0x57: {  	[hbm4b:s18+s31] =	stream.strided.scatter [tilespmem:s16], [sflag:$0x2], s17, s8, s31, $0x18;
	[tilespmem:$0x8100] =	vst v63  }
.LBB1_6:
0x58: {  	_ =	sfence.sel $0x180000  }
0x59: {  	s2 =	simm.s32 $0x1;
	[bflag:$0x0] =	sbarrier.arrive $0xFFFF  }
0x5a: {  	s31 =	simm.s32 $0x2;
	[sflag:s2] =	ssyncpa.u1 $0x1  }
0x5b: {  	[sflag:s31] =	ssyncpa.u1 $0x1  }
0x5c: {  	p0 =	sne.s32 s1, $0x0;
	_ =	strace $0x90000047  }
0x5d: {  	s0 =	sadd.s32 @!p0 $0x100000, s0;
	[bflag:$0x2] =	sbarrier.arrive $0xFFFF  }
0x5e: {  	[sflag:s0] =	ssyncadd.tile.s32 @!p0 $0x1;
	_ =	shalt  }
.Lfunc_end1:
_tile_overlayer_lowered:
.L_overlay_start_2:
0x5f: {  	(tag) =	ssettag $0x2  }
0x60: {  	s0 =	rddreg [dreg:$0x0];
	s2 =	stileid.u32  }
0x61: {  	s1 =	rddreg [dreg:$0x1];
	p0 =	sne.s32 s2, $0x0  }
0x62: {  	s3 =	rddreg [dreg:$0x2];
	[bflag:$0x3] =	sbarrier.arrive $0xFFFF;
	s2 =	simm.s32 @!p0 $0x1C01  }
0x63: {  	[timem:s3], [sflag:s2] =	dma.local @!p0 [hbm:s0], s1  }
0x64: {  	s0 =	simm.s32 @!p0 $0x1  }
0x65: {  	_ =	swait.ge @!p0 [sflag:s0], s1  }
0x66: {  	s1 =	ssub.s32 @!p0 $0x0, s1;
	[sflag:s0] =	ssyncset.done @!p0 $0x0  }
0x67: {  	[sflag:s0] =	ssyncadd.s32 @!p0 s1  }
0x68: {  	[bflag:$0x3] =	sbarrier.arrive $0xFFFF  }
0x69: {  	_ =	shalt  }

// kernel: sparse-core-data-format-call.cloned.1.call-start
scs
called_computation_lowered:
.L_overlay_start_0:
0x0: {  	s2 =	sld [smem:$0x3FD9]  }
0x1: {  	s3 =	sld [smem:$0x3FFE];
	_ =	sdelay $0x1  }
0x2: {  	s1 =	srdreg.scid  }
0x3: {  	s0 =	sand.u32 $0x1, s1  }
0x4: {  	s18 =	sshll.u32 s0, $0xA;
	s2 =	sadd.s32 s3, s2  }
0x5: {  	s2 =	sadd.s32 s2, s18  }
0x6: {  	[smem:$0x3FC6] =	sst s2  }
0x7: {  	_ = 	snop  }
0x8: {  	s2 =	sld [smem:$0x3FD0];
	(tm) =	ssettm $0x1  }
0x9: {  	s19 =	sld [smem:$0x3FFB];
	_ =	sdelay $0x3  }
0xa: {  	_ =	strace s19  }
0xb: {  	s3 =	sld [smem:$0x3FFC];
	_ =	sdelay $0x3  }
0xc: {  	_ =	strace s3  }
0xd: {  	s3 =	sld [smem:$0x3FFD];
	_ =	sdelay $0x3  }
0xe: {  	_ =	strace s3  }
0xf: {  	_ =	strace $0x8FFFFFFF  }
0x10: {  	s20 =	sld [smem:$0x3FDB];
	_ =	sdelay $0x1  }
0x11: {  	s4 =	simm.s32 $_scs_section_size  }
0x12: {  	s5 =	simm.s32 $_size__tile_overlayer_lowered;
	s6 =	simm.s32 $_tile_overlayer_lowered  }
0x13: {  	s23 =	simm.s32 $0x1BFF;
	s22 =	sshll.u32 s6, $0x1;
	s3 =	sadd.s32 s4, s20  }
0x14: {  	s7 =	simm.s32 $0x0;
	s21 =	sshll.u32 s5, $0x1;
	s5 =	sadd.s32 s22, s3  }
0x15: {  	[timem:s7], [sflag:s23] =	dma.local [hbm:s5], s21  }
0x16: {  	_ =	swait.ge [sflag:s23], s21  }
0x17: {  	s4 =	ssub.s32 $0x0, s21;
	[sflag:s23] =	ssyncset.done $0x0  }
0x18: {  	[sflag:s23] =	ssyncadd.s32 s4;
	_ =	sdelay $0x1  }
0x19: {  	s24 =	simm.s32 $0x1B8B  }
0x1a: {  	_ =	swait.ge [sflag:s24], $0x1  }
0x1b: {  	[sflag:s24] =	ssyncset.done $0x0  }
0x1c: {  	s26 =	simm.s32 $0x1B8E;
	s25 =	sld [smem:$0x3FFE];
	[sflag:s24] =	ssyncadd.s32 $0xFFFFFFFF  }
0x1d: {  	s27 =	simm.s32 $execute0_lowered;
	[smem:$0x3FD2] =	sst s26  }
0x1e: {  	s5 =	sshll.u32 s27, $0x1;
	_ =	strace $0x8000004C;
	[dreg:$0x1] =	wrdreg $0xFFFFFFFF  }
0x1f: {  	s28 =	simm.s32 $_size_execute0_lowered;
	s3 =	sadd.s32 s3, s5;
	[dreg:$0x0] =	wrdreg $0x0  }
0x20: {  	s5 =	sshll.u32 s28, $0x1;
	[dreg:$0x2] =	wrdreg s3  }
0x21: {  	[dreg:$0x3] =	wrdreg s5  }
0x22: {  	[dreg:$0x4] =	wrdreg $0xC0  }
0x23: {  	_ =	task [dreg:s7], $0x5FFFF  }
0x24: {  	[dreg:$0x1] =	wrdreg $0xFFFFFFFF  }
0x25: {  	[dreg:$0x0] =	wrdreg $0x60  }
0x26: {  	[dreg:$0x2] =	wrdreg s25  }
0x27: {  	[dreg:$0x3] =	wrdreg s2  }
0x28: {  	[dreg:$0x4] =	wrdreg $0x9  }
0x29: {  	_ =	task.clear_ibuf [dreg:s7], $0x5FFFF;
	_ =	strace $0x9000004C  }
0x2a: {  	s29 =	simm.s32 $0x9;
	_ =	strace $0x8000004E  }
0x2b: {  	_ =	swait.ge [sflag:s29], $0x1  }
0x2c: {  	[sflag:s29] =	ssyncadd.s32 $0xFFFFFFFF  }
0x2d: {  	_ =	strace $0x9000004E  }
0x2e: {  	_ =	sfence  }
0x2f: {  	s30 =	sld [smem:$0x0];
	_ =	sdelay $0x2  }
0x30: {  	s31 =	sshll.u32 s1, $0xD;
	s1 =	sshrl.u32 s1, $0x2  }
0x31: {  	s3 =	sand.u32 $0x4000, s31;
	s1 =	sadd.s32 s1, s30  }
0x32: {  	s0 =	sor.u32 s3, s0;
	s1 =	sshll.u32 s1, $0x11  }
0x33: {  	s0 =	sor.u32 s1, s0  }
0x34: {  	s0 =	sadd.s32 $0x8F2B, s0  }
0x35: {  	[sflag:s0] =	ssyncadd.remote.s32 $0x1  }
0x36: {  	_ =	sfence.sel $0xFFFF  }
0x37: {  	[dreg:$0x0] =	wrdreg $0xFFFFFFFF;
	(pc) =	sbr.abs _section_cstart, $3  }
0x38: {  	[dreg:$0x1] =	wrdreg $0xFFFFFFFF  }
0x39: {  	_ =	task.clear_ibuf [dreg:s7], $0x2FFFF;
	_ =	strace $0x9FFFFFFF  }
0x3a: {  	(tm) =	ssettm $0x7FFFFFFF  }
0x3b: {  	_ =	shalt  }
tec
execute0_lowered:
.L_overlay_start_1:
0x0: {  	(tag) =	ssettag $0x1  }
0x1: {  	s0 =	srdreg.scid  }
0x2: {  	s1 =	sshll.u32 s0, $0x4  }
0x3: {  	s0 =	stileid.u32;
	s1 =	sand.u32 $0x10, s1  }
0x4: {  	s1 =	sor.u32 s0, s1  }
0x5: {  	s6 =	rddreg [dreg:$0x0];
	s4 =	simm.s32 $0x1;
	s2 =	sshll.u32 s1, $0x7  }
0x6: {  	s7 =	simm.s32 $0x2;
	s12 =	simm.s32 $0x0;
	s1 =	ssub.s32 $0x1000, s2  }
0x7: {  	s8 =	simm.s32 $0x8000;
	s13 =	simm.s32 $0x0;
	s3 =	sand.u32 $0xF80, s1  }
0x8: {  	s9 =	simm.s32 $0x0;
	s5 =	sshrl.u32 s1, $0xC;
	p0 =	sne.s32 s3, $0x0  }
.Ltmp0:
0x9: {  	s1 =	rddreg [dreg:$0x2];
	s4 =	simm.s32 @!p0 $0x0;
	(pc) =	sbr.rel .LBB1_1-.Ltmp0, $4  }
0xa: {  	s11 =	simm.s32 $0x0;
	s3 =	rddreg [dreg:$0x1];
	s5 =	sadd.s32 s4, s5  }
0xb: {  	_ =	strace $0x8000004D;
	s4 =	simm.s32 $0x1;
	s5 =	smul.u32 $0xC8, s5  }
0xc: {  	s6 =	sadd.s32 $0xE00, s6;
	s10 =	smov.u32 s2;
	[sflag:s4] =	ssyncpa.u1 $0x0  }
0xd: {  	p0 =	por $0x0, $0x0;
	[sflag:s7] =	ssyncpa.u1 $0x0;
	s7 =	sor.u32 $0x1, s5  }
.LBB1_4:
0xe: {  	s16 =	sshll.u32 s13, $0x3;
	s17 =	sand.u32 $0x78, s13  }
0xf: {  	s30 =	sand.u32 $0x7E00, s13;
	s12 =	sshll.u32 s12, $0xF;
	s16 =	sand.u32 $0xC00, s16  }
0x10: {  	[tilespmem:s15+$0x810 ss:$0x81] =	vst.msk $0xffff, v2;
	s31 =	sand.u32 $0x7, s13;
	s16 =	sor.u32 s17, s16;
	s17 =	sadd.s32 s3, s30  }
0x11: {  	[tilespmem:s15+$0x1020 ss:$0x81] =	vst.msk $0xffff, v0;
	s13 =	sshll.u32 s31, $0x12;
	s12 =	sadd.s32 s12, s17;
	s16 =	sshrl.u32 s16, $0x3  }
0x12: {  	[tilespmem:s15+$0x0 ss:$0x81] =	vst.msk $0xffff, v1;
	s13 =	sor.u32 $0x400, s13;
	s12 =	sadd.s32 s16, s12  }
0x13: {  	[hbm4b:s12+s13] =	stream.strided.scatter [tilespmem:s14], [sflag:$0x2], $0x2000, s8, s13, $0x20;
	[tilespmem:$0x8080] =	vst v63  }
.LBB1_5:
0x14: {  	s14 =	sadd.s32 $0x1, s9  }
0x15: {  	s12 =	sadd.s32 $0x1000, s10;
	s16 =	smov.u32 s10;
	p2 =	sgt.s32 s14, $0xC7  }
0x16: {  	s16 =	smov.u32 @p2 s12  }
0x17: {  	s14 =	simm.s32 @p2 $0x0;
	p2 =	sgt.s32 s16, $0xFFF  }
0x18: {  	s16 =	smov.u32 @p2 s2;
	p2 =	sne.s32 s11, s7  }
.Ltmp1:
0x19: {  	p1 =	slt.u32 s11, $0x2;
	(pc) =	sbr.rel @!p2 .LBB1_6-.Ltmp1, $4  }
0x1a: {  	s15 =	simm.s32 @!p1 $0x2  }
0x1b: {  	s13 =	smov.u32 s10;
	p0 =	por !p0, !p0;
	_ =	swait.ge @!p1 [sflag:s15], $0x2000  }
0x1c: {  	s12 =	smov.u32 s9;
	[sflag:s15] =	ssyncset.done @!p1 $0x0;
	s9 =	smov.u32 s14  }
0x1d: {  	s11 =	sadd.s32 $0x1, s11;
	[sflag:s15] =	ssyncadd.s32 @!p1 $0xFFFFE000;
	s10 =	smov.u32 s16  }
.LBB1_1:
0x1e: {  	p1 =	sge.u32 s11, s5  }
0x1f: {  	s14 =	sand.u32 @!p1 $0x1FFFFFF, s9  }
0x20: {  	s15 =	smulhi.u32 @!p1 $0x147AE15, s14;
	_ =	sdelay $0x1  }
0x21: {  	s15 =	smul.u32 @!p1 $0xC8, s15  }
0x22: {  	s16 =	sxor.u32 @!p1 $0xFFFFFFFF, s11;
	s17 =	smul.u32 @!p1 $0xC80, s10  }
0x23: {  	s31 =	sadd.s32 $0xFFFFFFFF, s11;
	s16 =	sshll.u32 @!p1 s16, $0xD;
	s14 =	ssub.s32 @!p1 s14, s15  }
0x24: {  	s15 =	sand.u32 @!p1 $0x2000, s16;
	s16 =	sadd.s32 @!p1 s6, s17;
	s14 =	sshll.u32 @!p1 s14, $0x4  }
0x25: {  	s17 =	simm.s32 @!p1 $0x6400;
	s14 =	sadd.s32 @!p1 s14, s16;
	s16 =	simm.s32 @!p1 $0x40  }
0x26: {  	[tilespmem:s15], [sflag:$0x1] =	stream.strided.gather @!p1 [hbm4b:s14+s16], $0x2000, s17, s16, $0x38;
	[tilespmem:$0x8080] =	vst v63  }
0x27: {  	p1 =	sge.u32 s31, s5  }
.Ltmp2:
0x28: {  	_ = 	snop;
	(pc) =	sbr.rel @p1 .LBB1_5-.Ltmp2, $1  }
0x29: {  	_ =	sdelay $0x3  }
0x2a: {  	s14 =	simm.s32 $0x1  }
0x2b: {  	_ =	swait.ge [sflag:s4], $0x2000;
	s14 =	simm.s32 @!p0 $0x0  }
0x2c: {  	[sflag:s4] =	ssyncset.done $0x0;
	s15 =	sshll.u32 s14, $0xD  }
0x2d: {  	[sflag:s4] =	ssyncadd.s32 $0xFFFFE000;
	s18 =	sor.u32 $0x20, s15  }
0x2e: {  	s14 =	smul.u32 $0x8100, s14;
	v3 =	vld [tilespmem:s18+$0x10]  }
0x2f: {  	s30 =	sand.u32 $0x1, s11;
	v2 =	vld [tilespmem:s18+$0xFFFFFFF0]  }
0x30: {  	s15 =	smul.u32 $0x8100, s30;
	s14 =	sshrl.u32 s14, $0x2;
	v0 =	vld [tilespmem:s18+$0x0]  }
0x31: {  	v1 =	vld [tilespmem:s18+$0xFFFFFFE0];
	s16 =	sor.u32 $0x4000, s14  }
0x32: {  	s31 =	sshrl.u32 s15, $0x2;
	s15 =	sadd.s32 $0x0, s16  }
0x33: {  	s17 =	simm.s32 $0x4;
	s18 =	sadd.s32 $0x40, s18;
	s14 =	sor.u32 $0x4000, s31;
	[tilespmem:s15+$0x1830 ss:$0x81] =	vst.msk $0xffff, v3  }
.LBB1_3:
0x34: {  	v3 =	vld [tilespmem:s18+$0x10];
	p1 =	sne.s32 s17, $0x1FC;
	[tilespmem:s15+$0x810 ss:$0x81] =	vst.msk $0xffff, v2;
	s19 =	smov.u32 s17;
	s17 =	sadd.s32 $0x4, s17  }
.Ltmp3:
0x35: {  	v2 =	vld [tilespmem:s18+$0xFFFFFFF0];
	[tilespmem:s15+$0x1020 ss:$0x81] =	vst.msk $0xffff, v0;
	(pc) =	sbr.rel @p1 .LBB1_3-.Ltmp3, $4  }
0x36: {  	v0 =	vld [tilespmem:s18+$0x0];
	[tilespmem:s15+$0x0 ss:$0x81] =	vst.msk $0xffff, v1  }
0x37: {  	s15 =	sshra.s32 s19, $0x2;
	v1 =	vld [tilespmem:s18+$0xFFFFFFE0]  }
0x38: {  	s15 =	sadd.s32 s15, s16  }
0x39: {  	s18 =	sadd.s32 $0x40, s18;
	[tilespmem:s15+$0x1830 ss:$0x81] =	vst.msk $0xffff, v3  }
.Ltmp4:
0x3a: {  	_ = 	snop;
	(pc) =	sbr.rel .LBB1_4-.Ltmp4, $1  }
0x3b: {  	_ =	sdelay $0x3  }
.LBB1_6:
0x3c: {  	_ =	sfence.sel $0x180000  }
0x3d: {  	s2 =	simm.s32 $0x1;
	[bflag:$0x0] =	sbarrier.arrive $0xFFFF  }
0x3e: {  	s31 =	simm.s32 $0x2;
	[sflag:s2] =	ssyncpa.u1 $0x1  }
0x3f: {  	[sflag:s31] =	ssyncpa.u1 $0x1  }
0x40: {  	p0 =	sne.s32 s0, $0x0;
	_ =	strace $0x9000004D  }
0x41: {  	s0 =	sadd.s32 @!p0 $0x100000, s1;
	[bflag:$0x2] =	sbarrier.arrive $0xFFFF  }
0x42: {  	[sflag:s0] =	ssyncadd.tile.s32 @!p0 $0x1;
	_ =	shalt  }
.Lfunc_end1:
_tile_overlayer_lowered:
.L_overlay_start_2:
0x43: {  	(tag) =	ssettag $0x2  }
0x44: {  	s0 =	rddreg [dreg:$0x0];
	s2 =	stileid.u32  }
0x45: {  	s1 =	rddreg [dreg:$0x1];
	p0 =	sne.s32 s2, $0x0  }
0x46: {  	s3 =	rddreg [dreg:$0x2];
	[bflag:$0x3] =	sbarrier.arrive $0xFFFF;
	s2 =	simm.s32 @!p0 $0x1C01  }
0x47: {  	[timem:s3], [sflag:s2] =	dma.local @!p0 [hbm:s0], s1  }
0x48: {  	s0 =	simm.s32 @!p0 $0x1  }
0x49: {  	_ =	swait.ge @!p0 [sflag:s0], s1  }
0x4a: {  	s1 =	ssub.s32 @!p0 $0x0, s1;
	[sflag:s0] =	ssyncset.done @!p0 $0x0  }
0x4b: {  	[sflag:s0] =	ssyncadd.s32 @!p0 s1  }
0x4c: {  	[bflag:$0x3] =	sbarrier.arrive $0xFFFF  }
0x4d: {  	_ =	shalt  }

</sc_bundles>
